<compile_context>
chip_gen: v7x
topology: tpu7x:2x2x1
jax: 0.10.2.dev20260603
libtpu: 0.0.44.dev20260713+nightly
codegen_flags: <defaults>
</compile_context>

<pallas_src>
import functools

import jax
import jax.numpy as jnp
from jax import lax
from jax.experimental import pallas as pl
from jax.experimental.pallas import tpu as pltpu
from jax.experimental.pallas import tpu_sc as plsc

_B, _F, _D, _V = 16384, 26, 16, 1000000
_NC, _NS, _L = 2, 16, 16
_NW = _NC * _NS
_BPW = _B // _NW
_GC = 128
_NGC = _BPW // _GC
_CH = 128
_NCH = _BPW // _CH
_FD = _F * _D


def _dot_body(fembt_hbm, xt_hbm, out_hbm, xt_out_hbm, dbuf_v, dot_v, ibuf_v, sem_d):
    wid = lax.axis_index("s") * _NC + lax.axis_index("c")
    base = wid * _BPW

    pltpu.sync_copy(xt_hbm.at[:, pl.ds(base, _BPW)], ibuf_v)
    pltpu.sync_copy(ibuf_v, xt_out_hbm.at[:, pl.ds(base, _BPW)])

    pltpu.async_copy(
        fembt_hbm.at[:, pl.ds(base, _CH)],
        dbuf_v.at[:, pl.ds(0, _CH)], sem_d)

    def chunk_t(t, carry):
        buf = t % 2
        pltpu.make_async_copy(
            fembt_hbm.at[:, pl.ds(base, _CH)],
            dbuf_v.at[:, pl.ds(0, _CH)], sem_d).wait()

        @pl.when(t + 1 < _NCH)
        def _prefetch():
            pltpu.async_copy(
                fembt_hbm.at[:, pl.ds(base + (t + 1) * _CH, _CH)],
                dbuf_v.at[:, pl.ds(((t + 1) % 2) * _CH, _CH)],
                sem_d)

        def grp(g, inner):
            off = buf * _CH + g * _L
            zero = jnp.zeros((_L,), jnp.float32)

            def facc(f, carry):
                acc_sq = carry[0]
                acc_d = list(carry[1:])
                for d in range(_D):
                    v = dbuf_v[f * _D + d, pl.ds(off, _L)]
                    acc_sq = acc_sq + v * v
                    acc_d[d] = acc_d[d] + v
                return (acc_sq, *acc_d)

            res = lax.fori_loop(0, _F, facc, (zero,) * (_D + 1))
            r = -res[0]
            for d in range(_D):
                r = r + res[1 + d] * res[1 + d]
            gg = t * (_CH // _L) + g
            dot_v[pl.ds(gg * _L, _L)] = 0.5 * r
            return inner

        lax.fori_loop(0, _CH // _L, grp, 0)
        return carry

    lax.fori_loop(0, _NCH, chunk_t, 0)

    pltpu.sync_copy(dot_v, out_hbm.at[pl.ds(base, _BPW)])


_SC_CH = 4096
_SC_FULL = _V // _SC_CH
_SC_REM = _V - _SC_FULL * _SC_CH


def _lr_body(xt_hbm, table_hbm, bias_hbm, dot_hbm, out_hbm,
             idx_v, rows_v, lr_v, bias_v, shared_v, sem_g, sem_d, sem_t):
    wid = lax.axis_index("s") * _NC + lax.axis_index("c")
    sid = lax.axis_index("s")
    base = wid * _BPW

    def stage_k(k, carry):
        cid = k * _NS + sid

        @pl.when(cid < _SC_FULL)
        def _full():
            start = cid * _SC_CH
            pltpu.async_copy(table_hbm.at[0, pl.ds(start, _SC_CH)],
                             shared_v.at[pl.ds(start, _SC_CH)], sem_t)

        @pl.when(cid == _SC_FULL)
        def _partial():
            start = cid * _SC_CH
            pltpu.async_copy(table_hbm.at[0, pl.ds(start, _SC_REM)],
                             shared_v.at[pl.ds(start, _SC_REM)], sem_t)

        return carry

    _N_STAGE = (_SC_FULL + _SC_REM // _SC_CH) // _NS + 2
    lax.fori_loop(0, _N_STAGE, stage_k, 0)

    pltpu.sync_copy(xt_hbm.at[:, pl.ds(base, _BPW)], idx_v)
    pltpu.async_copy(dot_hbm.at[pl.ds(base, _BPW)], lr_v, sem_d)
    pltpu.sync_copy(bias_hbm, bias_v)

    def stage_drain(k, carry):
        cid = k * _NS + sid

        @pl.when(cid < _SC_FULL)
        def _full():
            start = cid * _SC_CH
            pltpu.make_async_copy(table_hbm.at[0, pl.ds(start, _SC_CH)],
                                  shared_v.at[pl.ds(start, _SC_CH)], sem_t).wait()

        @pl.when(cid == _SC_FULL)
        def _partial():
            start = cid * _SC_CH
            pltpu.make_async_copy(table_hbm.at[0, pl.ds(start, _SC_REM)],
                                  shared_v.at[pl.ds(start, _SC_REM)], sem_t).wait()

        return carry

    lax.fori_loop(0, _N_STAGE, stage_drain, 0)
    plsc.subcore_barrier()

    def gather_f(f, carry):
        for c in range(_NGC):
            pltpu.async_copy(
                shared_v.at[idx_v.at[f, pl.ds(c * _GC, _GC)]],
                rows_v.at[f, pl.ds(c * _GC, _GC)],
                sem_g,
            )
        return carry

    def drain_f(f, carry):
        for c in range(_NGC):
            pltpu.make_async_copy(
                shared_v.at[idx_v.at[f, pl.ds(c * _GC, _GC)]],
                rows_v.at[f, pl.ds(c * _GC, _GC)],
                sem_g,
            ).wait()
        return carry

    lax.fori_loop(0, _F, gather_f, 0)
    pltpu.make_async_copy(
        dot_hbm.at[pl.ds(base, _BPW)], lr_v, sem_d).wait()
    lax.fori_loop(0, _F, drain_f, 0)

    bias_vec = bias_v[...]

    def lr_g(g, carry):
        acc = lr_v[pl.ds(g * _L, _L)] + bias_vec
        for f in range(_F):
            acc = acc + rows_v[f, pl.ds(g * _L, _L)]
        lr_v[pl.ds(g * _L, _L)] = acc
        return carry

    lax.fori_loop(0, _BPW // _L, lr_g, 0)

    pltpu.sync_copy(lr_v, out_hbm.at[pl.ds(base, _BPW)])


def _params(tc_tiling=False):
    return pltpu.CompilerParams(
        needs_layout_passes=False, use_tc_tiling_on_sc=tc_tiling)


@functools.cache
def _dot_sc():
    return functools.partial(
        pl.kernel,
        out_type=(jax.ShapeDtypeStruct((_B,), jnp.float32),
                  jax.ShapeDtypeStruct((_F, _B), jnp.int32)),
        mesh=plsc.VectorSubcoreMesh(core_axis_name="c", subcore_axis_name="s"),
        scratch_types=[
            pltpu.VMEM((_FD, 2 * _CH), jnp.float32),
            pltpu.VMEM((_BPW,), jnp.float32),
            pltpu.VMEM((_F, _BPW), jnp.int32),
            pltpu.SemaphoreType.DMA,
        ],
        compiler_params=_params(tc_tiling=True),
    )(_dot_body)


@functools.cache
def _lr_sc():
    return functools.partial(
        pl.kernel,
        out_type=jax.ShapeDtypeStruct((_B,), jnp.float32),
        mesh=plsc.VectorSubcoreMesh(core_axis_name="c", subcore_axis_name="s"),
        scratch_types=[
            pltpu.VMEM((_F, _BPW), jnp.int32),
            pltpu.VMEM((_F, _BPW), jnp.float32),
            pltpu.VMEM((_BPW,), jnp.float32),
            pltpu.VMEM((_L,), jnp.float32),
            pltpu.VMEM_SHARED((_V,), jnp.float32),
            pltpu.SemaphoreType.DMA,
            pltpu.SemaphoreType.DMA,
            pltpu.SemaphoreType.DMA,
        ],
        compiler_params=_params(),
    )(_lr_body)


def kernel(X, feature_emb, lr_table, bias):
    Xt = jnp.asarray(X, jnp.int32).T
    fembt = feature_emb.reshape(_B, _FD).T
    bias16 = jnp.broadcast_to(bias.astype(jnp.float32), (_L,))
    dot, xt_lin = _dot_sc()(fembt, Xt)
    out = _lr_sc()(xt_lin, jnp.reshape(lr_table, (1, _V)), bias16, dot)
    return out.reshape(_B, 1)

# --- scband reference (transcript-rebuilt; emitter-appended) ---
"""Pipeline reference for scband-fm-layer-19481971655026 (READ-ONLY COPY).

The authoritative reference and input builder live on the scoring server;
editing this copy changes nothing except your own understanding.
"""

import jax, jax.numpy as jnp
import numpy as np

B, F, D, V = 16384, 26, 16, 1000000

def setup_inputs(seed: int = 0) -> dict:
    key = jax.random.key(seed)
    k1, k2, k3 = jax.random.split(key, 3)
    X = jax.random.randint(k1, (B, F), 0, V, dtype=jnp.int64) if jax.config.jax_enable_x64 else jax.random.randint(k1, (B, F), 0, V)
    feature_emb = jax.random.normal(k2, (B, F, D), dtype=jnp.float32)
    lr_table = jax.random.normal(k3, (V, 1), dtype=jnp.float32) * 0.01
    bias = jnp.zeros((1,), dtype=jnp.float32)
    return {"X": X, "feature_emb": feature_emb, "lr_table": lr_table, "bias": bias}

def reference(X, feature_emb, lr_table, bias):
    # LR_Layer: per-field scalar embedding lookup, summed over fields, plus bias
    embed_weights = jnp.take(lr_table, X, axis=0)          # [B, F, 1] (stack of per-field lookups)
    lr_out = jnp.sum(embed_weights, axis=1) + bias          # [B, 1]  (torch.stack(...).sum(dim=0) + bias)
    # InnerProductLayer(output='sum'): sum of pairwise dot products over fields
    # sum_{i<j} <e_i, e_j> = 0.5 * (||sum_i e_i||^2 - sum_i ||e_i||^2)
    sum_e = jnp.sum(feature_emb, axis=1)                    # [B, D]
    sum_sq = jnp.sum(feature_emb * feature_emb, axis=1)     # [B, D]
    dot_out = 0.5 * jnp.sum(sum_e * sum_e - sum_sq, axis=1, keepdims=True)  # [B, 1]
    output = dot_out + lr_out
    return output

if __name__ == "__main__":
    import jax
    _d = setup_inputs()
    print(jax.jit(kernel)(*tuple(_d.values())))

</pallas_src>

<mosaic_0001>
#map = affine_map<(d0, d1) -> (0, 0)>
#map1 = affine_map<(d0, d1) -> (0)>
module attributes {stable_mosaic.version = 14 : i64} {
  func.func @_dot_body(%arg0: i32, %arg1: i32, %arg2: memref<416x16384xf32, #tpu.memory_space<hbm>>, %arg3: memref<26x16384xi32, #tpu.memory_space<hbm>>, %arg4: memref<16384xf32, #tpu.memory_space<hbm>>, %arg5: memref<26x16384xi32, #tpu.memory_space<hbm>>, %arg6: memref<416x256xf32, #tpu.memory_space<vmem>>, %arg7: memref<512xf32, #tpu.memory_space<vmem>>, %arg8: memref<26x512xi32, #tpu.memory_space<vmem>>, %arg9: memref<!tpu.dma_semaphore, #tpu.memory_space<semaphore_mem>>) attributes {dimension_semantics = [#tpu.dimension_semantics<core_parallel>, #tpu.dimension_semantics<subcore_parallel>], iteration_bounds = array<i64: 2, 16>, scalar_prefetch = 0 : i64, scratch_operands = 4 : i64, tpu.core_type = #tpu.core_type<sc_vector_subcore>, window_params = [{transform_indices = #map}, {transform_indices = #map}, {transform_indices = #map1}, {transform_indices = #map}]} {
    %mul3A = arith.constant 2 : i32
    %mul3A_0 = arith.muli %arg1, %mul3A : i32
    %add3A = arith.addi %mul3A_0, %arg0 : i32
    %mul3A_1 = arith.constant 512 : i32
    %mul3A_2 = arith.muli %add3A, %mul3A_1 : i32
    "tpu.region"() ({
      %run_scoped3A = tpu.sem_alloc : memref<!tpu.dma_semaphore, #tpu.memory_space<semaphore_mem>>
      %dma_start3A_17 = arith.constant 0 : i32
      %dma_start3A_18 = tpu.memref_slice %arg3[%dma_start3A_17, %mul3A_2] : memref<26x16384xi32, #tpu.memory_space<hbm>> -> memref<26x512xi32, #tpu.memory_space<hbm>>
      %dma_start3A_19 = arith.constant 0 : i32
      %dma_start3A_20 = tpu.memref_slice %arg3[%dma_start3A_19, %mul3A_2] : memref<26x16384xi32, #tpu.memory_space<hbm>> -> memref<26x512xi32, #tpu.memory_space<hbm>>
      tpu.enqueue_dma source(%dma_start3A_20 : memref<26x512xi32, #tpu.memory_space<hbm>>) target(%arg8 : memref<26x512xi32, #tpu.memory_space<vmem>>) target_semaphore(%run_scoped3A : memref<!tpu.dma_semaphore, #tpu.memory_space<semaphore_mem>>)
      %dma_wait3A = arith.constant 0 : i32
      %dma_wait3A_21 = tpu.memref_slice %arg3[%dma_wait3A, %mul3A_2] : memref<26x16384xi32, #tpu.memory_space<hbm>> -> memref<26x512xi32, #tpu.memory_space<hbm>>
      %dma_wait3A_22 = arith.constant 0 : i32
      %dma_wait3A_23 = tpu.memref_slice %arg3[%dma_wait3A_22, %mul3A_2] : memref<26x16384xi32, #tpu.memory_space<hbm>> -> memref<26x512xi32, #tpu.memory_space<hbm>>
      tpu.wait_dma2 semaphore(%run_scoped3A : memref<!tpu.dma_semaphore, #tpu.memory_space<semaphore_mem>>) src(%dma_wait3A_23 : memref<26x512xi32, #tpu.memory_space<hbm>>) dst(%arg8 : memref<26x512xi32, #tpu.memory_space<vmem>>)
      tpu.yield
    }) : () -> ()
    "tpu.region"() ({
      %run_scoped3A = tpu.sem_alloc : memref<!tpu.dma_semaphore, #tpu.memory_space<semaphore_mem>>
      %dma_start3A_17 = arith.constant 0 : i32
      %dma_start3A_18 = tpu.memref_slice %arg5[%dma_start3A_17, %mul3A_2] : memref<26x16384xi32, #tpu.memory_space<hbm>> -> memref<26x512xi32, #tpu.memory_space<hbm>>
      %dma_start3A_19 = arith.constant 0 : i32
      %dma_start3A_20 = tpu.memref_slice %arg5[%dma_start3A_19, %mul3A_2] : memref<26x16384xi32, #tpu.memory_space<hbm>> -> memref<26x512xi32, #tpu.memory_space<hbm>>
      tpu.enqueue_dma source(%arg8 : memref<26x512xi32, #tpu.memory_space<vmem>>) target(%dma_start3A_20 : memref<26x512xi32, #tpu.memory_space<hbm>>) target_semaphore(%run_scoped3A : memref<!tpu.dma_semaphore, #tpu.memory_space<semaphore_mem>>)
      %dma_wait3A = arith.constant 0 : i32
      %dma_wait3A_21 = tpu.memref_slice %arg5[%dma_wait3A, %mul3A_2] : memref<26x16384xi32, #tpu.memory_space<hbm>> -> memref<26x512xi32, #tpu.memory_space<hbm>>
      %dma_wait3A_22 = arith.constant 0 : i32
      %dma_wait3A_23 = tpu.memref_slice %arg5[%dma_wait3A_22, %mul3A_2] : memref<26x16384xi32, #tpu.memory_space<hbm>> -> memref<26x512xi32, #tpu.memory_space<hbm>>
      tpu.wait_dma2 semaphore(%run_scoped3A : memref<!tpu.dma_semaphore, #tpu.memory_space<semaphore_mem>>) src(%arg8 : memref<26x512xi32, #tpu.memory_space<vmem>>) dst(%dma_wait3A_23 : memref<26x512xi32, #tpu.memory_space<hbm>>)
      tpu.yield
    }) : () -> ()
    %dma_start3A = arith.constant 0 : i32
    %dma_start3A_3 = arith.constant 0 : i32
    %dma_start3A_4 = tpu.memref_slice %arg6[%dma_start3A, %dma_start3A_3] : memref<416x256xf32, #tpu.memory_space<vmem>> -> memref<416x128xf32, #tpu.memory_space<vmem>>
    %dma_start3A_5 = arith.constant 0 : i32
    %dma_start3A_6 = tpu.memref_slice %arg2[%dma_start3A_5, %mul3A_2] : memref<416x16384xf32, #tpu.memory_space<hbm>> -> memref<416x128xf32, #tpu.memory_space<hbm>>
    %dma_start3A_7 = arith.constant 0 : i32
    %dma_start3A_8 = arith.constant 0 : i32
    %dma_start3A_9 = tpu.memref_slice %arg6[%dma_start3A_7, %dma_start3A_8] : memref<416x256xf32, #tpu.memory_space<vmem>> -> memref<416x128xf32, #tpu.memory_space<vmem>>
    %dma_start3A_10 = arith.constant 0 : i32
    %dma_start3A_11 = tpu.memref_slice %arg2[%dma_start3A_10, %mul3A_2] : memref<416x16384xf32, #tpu.memory_space<hbm>> -> memref<416x128xf32, #tpu.memory_space<hbm>>
    tpu.enqueue_dma source(%dma_start3A_11 : memref<416x128xf32, #tpu.memory_space<hbm>>) target(%dma_start3A_9 : memref<416x128xf32, #tpu.memory_space<vmem>>) target_semaphore(%arg9 : memref<!tpu.dma_semaphore, #tpu.memory_space<semaphore_mem>>)
    %scan3A = arith.constant 0 : i32
    %scan3A_12 = arith.constant 0 : i32
    %scan3A_13 = arith.constant 4 : i32
    %scan3A_14 = arith.addi %scan3A_12, %scan3A_13 : i32
    %scan3A_15 = arith.constant 1 : i32
    scf.for %scan3A_17 = %scan3A_12 to %scan3A_14 step %scan3A_15  : i32 {
      %jit3A = arith.constant 2 : i32
      %eq3A = arith.constant 0 : i32
      %eq3A_18 = arith.cmpi eq, %jit3A, %eq3A : i32
      %jit3A_19 = arith.constant 1 : i32
      %select_n3A = arith.select %eq3A_18, %jit3A_19, %jit3A : i32
      %rem3A = arith.remsi %scan3A_17, %select_n3A : i32
      %ne3A = arith.constant 0 : i32
      %ne3A_20 = arith.cmpi ne, %rem3A, %ne3A : i32
      %lt3A = arith.constant 0 : i32
      %lt3A_21 = arith.cmpi slt, %rem3A, %lt3A : i32
      %lt3A_22 = arith.constant 0 : i32
      %lt3A_23 = arith.cmpi slt, %select_n3A, %lt3A_22 : i32
      %ne3A_24 = arith.xori %lt3A_21, %lt3A_23 : i1
      %and3A = arith.andi %ne3A_24, %ne3A_20 : i1
      %add3A_25 = arith.addi %rem3A, %select_n3A : i32
      %select_n3A_26 = arith.select %and3A, %add3A_25, %rem3A : i32
      %dma_wait3A = arith.constant 0 : i32
      %dma_wait3A_27 = arith.constant 0 : i32
      %dma_wait3A_28 = tpu.memref_slice %arg6[%dma_wait3A, %dma_wait3A_27] : memref<416x256xf32, #tpu.memory_space<vmem>> -> memref<416x128xf32, #tpu.memory_space<vmem>>
      %dma_wait3A_29 = arith.constant 0 : i32
      %dma_wait3A_30 = tpu.memref_slice %arg2[%dma_wait3A_29, %mul3A_2] : memref<416x16384xf32, #tpu.memory_space<hbm>> -> memref<416x128xf32, #tpu.memory_space<hbm>>
      %dma_wait3A_31 = arith.constant 0 : i32
      %dma_wait3A_32 = arith.constant 0 : i32
      %dma_wait3A_33 = tpu.memref_slice %arg6[%dma_wait3A_31, %dma_wait3A_32] : memref<416x256xf32, #tpu.memory_space<vmem>> -> memref<416x128xf32, #tpu.memory_space<vmem>>
      %dma_wait3A_34 = arith.constant 0 : i32
      %dma_wait3A_35 = tpu.memref_slice %arg2[%dma_wait3A_34, %mul3A_2] : memref<416x16384xf32, #tpu.memory_space<hbm>> -> memref<416x128xf32, #tpu.memory_space<hbm>>
      tpu.wait_dma2 semaphore(%arg9 : memref<!tpu.dma_semaphore, #tpu.memory_space<semaphore_mem>>) src(%dma_wait3A_35 : memref<416x128xf32, #tpu.memory_space<hbm>>) dst(%dma_wait3A_33 : memref<416x128xf32, #tpu.memory_space<vmem>>)
      %add3A_36 = arith.constant 1 : i32
      %add3A_37 = arith.addi %scan3A_17, %add3A_36 : i32
      %lt3A_38 = arith.constant 4 : i32
      %lt3A_39 = arith.cmpi slt, %add3A_37, %lt3A_38 : i32
      %convert_element_type3A = arith.extui %lt3A_39 : i1 to i32
      %cond3A = arith.constant 0 : i32
      %cond3A_40 = arith.cmpi ne, %convert_element_type3A, %cond3A : i32
      scf.if %cond3A_40 {
        %add3A_47 = arith.constant 1 : i32
        %add3A_48 = arith.addi %scan3A_17, %add3A_47 : i32
        %mul3A_49 = arith.constant 128 : i32
        %mul3A_50 = arith.muli %add3A_48, %mul3A_49 : i32
        %add3A_51 = arith.addi %mul3A_2, %mul3A_50 : i32
        %add3A_52 = arith.constant 1 : i32
        %add3A_53 = arith.addi %scan3A_17, %add3A_52 : i32
        %jit3A_54 = arith.constant 2 : i32
        %eq3A_55 = arith.constant 0 : i32
        %eq3A_56 = arith.cmpi eq, %jit3A_54, %eq3A_55 : i32
        %jit3A_57 = arith.constant 1 : i32
        %select_n3A_58 = arith.select %eq3A_56, %jit3A_57, %jit3A_54 : i32
        %rem3A_59 = arith.remsi %add3A_53, %select_n3A_58 : i32
        %ne3A_60 = arith.constant 0 : i32
        %ne3A_61 = arith.cmpi ne, %rem3A_59, %ne3A_60 : i32
        %lt3A_62 = arith.constant 0 : i32
        %lt3A_63 = arith.cmpi slt, %rem3A_59, %lt3A_62 : i32
        %lt3A_64 = arith.constant 0 : i32
        %lt3A_65 = arith.cmpi slt, %select_n3A_58, %lt3A_64 : i32
        %ne3A_66 = arith.xori %lt3A_63, %lt3A_65 : i1
        %and3A_67 = arith.andi %ne3A_66, %ne3A_61 : i1
        %add3A_68 = arith.addi %rem3A_59, %select_n3A_58 : i32
        %select_n3A_69 = arith.select %and3A_67, %add3A_68, %rem3A_59 : i32
        %mul3A_70 = arith.constant 128 : i32
        %mul3A_71 = arith.muli %select_n3A_69, %mul3A_70 : i32
        %dma_start3A_72 = arith.constant 0 : i32
        %dma_start3A_73 = tpu.memref_slice %arg6[%dma_start3A_72, %mul3A_71] : memref<416x256xf32, #tpu.memory_space<vmem>> -> memref<416x128xf32, #tpu.memory_space<vmem>>
        %dma_start3A_74 = arith.constant 0 : i32
        %dma_start3A_75 = tpu.memref_slice %arg2[%dma_start3A_74, %add3A_51] : memref<416x16384xf32, #tpu.memory_space<hbm>> -> memref<416x128xf32, #tpu.memory_space<hbm>>
        %dma_start3A_76 = arith.constant 0 : i32
        %dma_start3A_77 = tpu.memref_slice %arg6[%dma_start3A_76, %mul3A_71] : memref<416x256xf32, #tpu.memory_space<vmem>> -> memref<416x128xf32, #tpu.memory_space<vmem>>
        %dma_start3A_78 = arith.constant 0 : i32
        %dma_start3A_79 = tpu.memref_slice %arg2[%dma_start3A_78, %add3A_51] : memref<416x16384xf32, #tpu.memory_space<hbm>> -> memref<416x128xf32, #tpu.memory_space<hbm>>
        tpu.enqueue_dma source(%dma_start3A_79 : memref<416x128xf32, #tpu.memory_space<hbm>>) target(%dma_start3A_77 : memref<416x128xf32, #tpu.memory_space<vmem>>) target_semaphore(%arg9 : memref<!tpu.dma_semaphore, #tpu.memory_space<semaphore_mem>>)
      } else {
      }
      %scan3A_41 = arith.constant 0 : i32
      %scan3A_42 = arith.constant 0 : i32
      %scan3A_43 = arith.constant 8 : i32
      %scan3A_44 = arith.addi %scan3A_42, %scan3A_43 : i32
      %scan3A_45 = arith.constant 1 : i32
      scf.for %scan3A_47 = %scan3A_42 to %scan3A_44 step %scan3A_45  : i32 {
        %mul3A_48 = arith.constant 128 : i32
        %mul3A_49 = arith.muli %select_n3A_26, %mul3A_48 : i32
        %mul3A_50 = arith.constant 16 : i32
        %mul3A_51 = arith.muli %scan3A_47, %mul3A_50 : i32
        %add3A_52 = arith.addi %mul3A_49, %mul3A_51 : i32
        %broadcast_in_dim3A = arith.constant 0.000000e+00 : f32
        %broadcast_in_dim3A_53 = vector.broadcast %broadcast_in_dim3A : f32 to vector<16xf32>
        %scan3A_54 = arith.constant 0 : i32
        %scan3A_55 = arith.constant 26 : i32
        %scan3A_56 = arith.addi %scan3A_54, %scan3A_55 : i32
        %scan3A_57 = arith.constant 1 : i32
        %scan3A_58:17 = scf.for %scan3A_103 = %scan3A_54 to %scan3A_56 step %scan3A_57 iter_args(%scan3A_104 = %broadcast_in_dim3A_53, %scan3A_105 = %broadcast_in_dim3A_53, %scan3A_106 = %broadcast_in_dim3A_53, %scan3A_107 = %broadcast_in_dim3A_53, %scan3A_108 = %broadcast_in_dim3A_53, %scan3A_109 = %broadcast_in_dim3A_53, %scan3A_110 = %broadcast_in_dim3A_53, %scan3A_111 = %broadcast_in_dim3A_53, %scan3A_112 = %broadcast_in_dim3A_53, %scan3A_113 = %broadcast_in_dim3A_53, %scan3A_114 = %broadcast_in_dim3A_53, %scan3A_115 = %broadcast_in_dim3A_53, %scan3A_116 = %broadcast_in_dim3A_53, %scan3A_117 = %broadcast_in_dim3A_53, %scan3A_118 = %broadcast_in_dim3A_53, %scan3A_119 = %broadcast_in_dim3A_53, %scan3A_120 = %broadcast_in_dim3A_53) -> (vector<16xf32>, vector<16xf32>, vector<16xf32>, vector<16xf32>, vector<16xf32>, vector<16xf32>, vector<16xf32>, vector<16xf32>, vector<16xf32>, vector<16xf32>, vector<16xf32>, vector<16xf32>, vector<16xf32>, vector<16xf32>, vector<16xf32>, vector<16xf32>, vector<16xf32>)  : i32 {
          %mul3A_121 = arith.constant 16 : i32
          %mul3A_122 = arith.muli %scan3A_103, %mul3A_121 : i32
          %add3A_123 = arith.constant 0 : i32
          %add3A_124 = arith.addi %mul3A_122, %add3A_123 : i32
          %get3A = arith.index_cast %add3A_124 : i32 to index
          %get3A_125 = arith.index_cast %add3A_52 : i32 to index
          %get3A_126 = tpu.vector_load %arg6[%get3A, %get3A_125] {strides = array<i32>} : memref<416x256xf32, #tpu.memory_space<vmem>>, vector<16xf32>,
          %mul3A_127 = arith.mulf %get3A_126, %get3A_126 : vector<16xf32>
          %add3A_128 = arith.addf %scan3A_104, %mul3A_127 : vector<16xf32>
          %add3A_129 = arith.addf %scan3A_105, %get3A_126 : vector<16xf32>
          %mul3A_130 = arith.constant 16 : i32
          %mul3A_131 = arith.muli %scan3A_103, %mul3A_130 : i32
          %add3A_132 = arith.constant 1 : i32
          %add3A_133 = arith.addi %mul3A_131, %add3A_132 : i32
          %get3A_134 = arith.index_cast %add3A_133 : i32 to index
          %get3A_135 = arith.index_cast %add3A_52 : i32 to index
          %get3A_136 = tpu.vector_load %arg6[%get3A_134, %get3A_135] {strides = array<i32>} : memref<416x256xf32, #tpu.memory_space<vmem>>, vector<16xf32>,
          %mul3A_137 = arith.mulf %get3A_136, %get3A_136 : vector<16xf32>
          %add3A_138 = arith.addf %add3A_128, %mul3A_137 : vector<16xf32>
          %add3A_139 = arith.addf %scan3A_106, %get3A_136 : vector<16xf32>
          %mul3A_140 = arith.constant 16 : i32
          %mul3A_141 = arith.muli %scan3A_103, %mul3A_140 : i32
          %add3A_142 = arith.constant 2 : i32
          %add3A_143 = arith.addi %mul3A_141, %add3A_142 : i32
          %get3A_144 = arith.index_cast %add3A_143 : i32 to index
          %get3A_145 = arith.index_cast %add3A_52 : i32 to index
          %get3A_146 = tpu.vector_load %arg6[%get3A_144, %get3A_145] {strides = array<i32>} : memref<416x256xf32, #tpu.memory_space<vmem>>, vector<16xf32>,
          %mul3A_147 = arith.mulf %get3A_146, %get3A_146 : vector<16xf32>
          %add3A_148 = arith.addf %add3A_138, %mul3A_147 : vector<16xf32>
          %add3A_149 = arith.addf %scan3A_107, %get3A_146 : vector<16xf32>
          %mul3A_150 = arith.constant 16 : i32
          %mul3A_151 = arith.muli %scan3A_103, %mul3A_150 : i32
          %add3A_152 = arith.constant 3 : i32
          %add3A_153 = arith.addi %mul3A_151, %add3A_152 : i32
          %get3A_154 = arith.index_cast %add3A_153 : i32 to index
          %get3A_155 = arith.index_cast %add3A_52 : i32 to index
          %get3A_156 = tpu.vector_load %arg6[%get3A_154, %get3A_155] {strides = array<i32>} : memref<416x256xf32, #tpu.memory_space<vmem>>, vector<16xf32>,
          %mul3A_157 = arith.mulf %get3A_156, %get3A_156 : vector<16xf32>
          %add3A_158 = arith.addf %add3A_148, %mul3A_157 : vector<16xf32>
          %add3A_159 = arith.addf %scan3A_108, %get3A_156 : vector<16xf32>
          %mul3A_160 = arith.constant 16 : i32
          %mul3A_161 = arith.muli %scan3A_103, %mul3A_160 : i32
          %add3A_162 = arith.constant 4 : i32
          %add3A_163 = arith.addi %mul3A_161, %add3A_162 : i32
          %get3A_164 = arith.index_cast %add3A_163 : i32 to index
          %get3A_165 = arith.index_cast %add3A_52 : i32 to index
          %get3A_166 = tpu.vector_load %arg6[%get3A_164, %get3A_165] {strides = array<i32>} : memref<416x256xf32, #tpu.memory_space<vmem>>, vector<16xf32>,
          %mul3A_167 = arith.mulf %get3A_166, %get3A_166 : vector<16xf32>
          %add3A_168 = arith.addf %add3A_158, %mul3A_167 : vector<16xf32>
          %add3A_169 = arith.addf %scan3A_109, %get3A_166 : vector<16xf32>
          %mul3A_170 = arith.constant 16 : i32
          %mul3A_171 = arith.muli %scan3A_103, %mul3A_170 : i32
          %add3A_172 = arith.constant 5 : i32
          %add3A_173 = arith.addi %mul3A_171, %add3A_172 : i32
          %get3A_174 = arith.index_cast %add3A_173 : i32 to index
          %get3A_175 = arith.index_cast %add3A_52 : i32 to index
          %get3A_176 = tpu.vector_load %arg6[%get3A_174, %get3A_175] {strides = array<i32>} : memref<416x256xf32, #tpu.memory_space<vmem>>, vector<16xf32>,
          %mul3A_177 = arith.mulf %get3A_176, %get3A_176 : vector<16xf32>
          %add3A_178 = arith.addf %add3A_168, %mul3A_177 : vector<16xf32>
          %add3A_179 = arith.addf %scan3A_110, %get3A_176 : vector<16xf32>
          %mul3A_180 = arith.constant 16 : i32
          %mul3A_181 = arith.muli %scan3A_103, %mul3A_180 : i32
          %add3A_182 = arith.constant 6 : i32
          %add3A_183 = arith.addi %mul3A_181, %add3A_182 : i32
          %get3A_184 = arith.index_cast %add3A_183 : i32 to index
          %get3A_185 = arith.index_cast %add3A_52 : i32 to index
          %get3A_186 = tpu.vector_load %arg6[%get3A_184, %get3A_185] {strides = array<i32>} : memref<416x256xf32, #tpu.memory_space<vmem>>, vector<16xf32>,
          %mul3A_187 = arith.mulf %get3A_186, %get3A_186 : vector<16xf32>
          %add3A_188 = arith.addf %add3A_178, %mul3A_187 : vector<16xf32>
          %add3A_189 = arith.addf %scan3A_111, %get3A_186 : vector<16xf32>
          %mul3A_190 = arith.constant 16 : i32
          %mul3A_191 = arith.muli %scan3A_103, %mul3A_190 : i32
          %add3A_192 = arith.constant 7 : i32
          %add3A_193 = arith.addi %mul3A_191, %add3A_192 : i32
          %get3A_194 = arith.index_cast %add3A_193 : i32 to index
          %get3A_195 = arith.index_cast %add3A_52 : i32 to index
          %get3A_196 = tpu.vector_load %arg6[%get3A_194, %get3A_195] {strides = array<i32>} : memref<416x256xf32, #tpu.memory_space<vmem>>, vector<16xf32>,
          %mul3A_197 = arith.mulf %get3A_196, %get3A_196 : vector<16xf32>
          %add3A_198 = arith.addf %add3A_188, %mul3A_197 : vector<16xf32>
          %add3A_199 = arith.addf %scan3A_112, %get3A_196 : vector<16xf32>
          %mul3A_200 = arith.constant 16 : i32
          %mul3A_201 = arith.muli %scan3A_103, %mul3A_200 : i32
          %add3A_202 = arith.constant 8 : i32
          %add3A_203 = arith.addi %mul3A_201, %add3A_202 : i32
          %get3A_204 = arith.index_cast %add3A_203 : i32 to index
          %get3A_205 = arith.index_cast %add3A_52 : i32 to index
          %get3A_206 = tpu.vector_load %arg6[%get3A_204, %get3A_205] {strides = array<i32>} : memref<416x256xf32, #tpu.memory_space<vmem>>, vector<16xf32>,
          %mul3A_207 = arith.mulf %get3A_206, %get3A_206 : vector<16xf32>
          %add3A_208 = arith.addf %add3A_198, %mul3A_207 : vector<16xf32>
          %add3A_209 = arith.addf %scan3A_113, %get3A_206 : vector<16xf32>
          %mul3A_210 = arith.constant 16 : i32
          %mul3A_211 = arith.muli %scan3A_103, %mul3A_210 : i32
          %add3A_212 = arith.constant 9 : i32
          %add3A_213 = arith.addi %mul3A_211, %add3A_212 : i32
          %get3A_214 = arith.index_cast %add3A_213 : i32 to index
          %get3A_215 = arith.index_cast %add3A_52 : i32 to index
          %get3A_216 = tpu.vector_load %arg6[%get3A_214, %get3A_215] {strides = array<i32>} : memref<416x256xf32, #tpu.memory_space<vmem>>, vector<16xf32>,
          %mul3A_217 = arith.mulf %get3A_216, %get3A_216 : vector<16xf32>
          %add3A_218 = arith.addf %add3A_208, %mul3A_217 : vector<16xf32>
          %add3A_219 = arith.addf %scan3A_114, %get3A_216 : vector<16xf32>
          %mul3A_220 = arith.constant 16 : i32
          %mul3A_221 = arith.muli %scan3A_103, %mul3A_220 : i32
          %add3A_222 = arith.constant 10 : i32
          %add3A_223 = arith.addi %mul3A_221, %add3A_222 : i32
          %get3A_224 = arith.index_cast %add3A_223 : i32 to index
          %get3A_225 = arith.index_cast %add3A_52 : i32 to index
          %get3A_226 = tpu.vector_load %arg6[%get3A_224, %get3A_225] {strides = array<i32>} : memref<416x256xf32, #tpu.memory_space<vmem>>, vector<16xf32>,
          %mul3A_227 = arith.mulf %get3A_226, %get3A_226 : vector<16xf32>
          %add3A_228 = arith.addf %add3A_218, %mul3A_227 : vector<16xf32>
          %add3A_229 = arith.addf %scan3A_115, %get3A_226 : vector<16xf32>
          %mul3A_230 = arith.constant 16 : i32
          %mul3A_231 = arith.muli %scan3A_103, %mul3A_230 : i32
          %add3A_232 = arith.constant 11 : i32
          %add3A_233 = arith.addi %mul3A_231, %add3A_232 : i32
          %get3A_234 = arith.index_cast %add3A_233 : i32 to index
          %get3A_235 = arith.index_cast %add3A_52 : i32 to index
          %get3A_236 = tpu.vector_load %arg6[%get3A_234, %get3A_235] {strides = array<i32>} : memref<416x256xf32, #tpu.memory_space<vmem>>, vector<16xf32>,
          %mul3A_237 = arith.mulf %get3A_236, %get3A_236 : vector<16xf32>
          %add3A_238 = arith.addf %add3A_228, %mul3A_237 : vector<16xf32>
          %add3A_239 = arith.addf %scan3A_116, %get3A_236 : vector<16xf32>
          %mul3A_240 = arith.constant 16 : i32
          %mul3A_241 = arith.muli %scan3A_103, %mul3A_240 : i32
          %add3A_242 = arith.constant 12 : i32
          %add3A_243 = arith.addi %mul3A_241, %add3A_242 : i32
          %get3A_244 = arith.index_cast %add3A_243 : i32 to index
          %get3A_245 = arith.index_cast %add3A_52 : i32 to index
          %get3A_246 = tpu.vector_load %arg6[%get3A_244, %get3A_245] {strides = array<i32>} : memref<416x256xf32, #tpu.memory_space<vmem>>, vector<16xf32>,
          %mul3A_247 = arith.mulf %get3A_246, %get3A_246 : vector<16xf32>
          %add3A_248 = arith.addf %add3A_238, %mul3A_247 : vector<16xf32>
          %add3A_249 = arith.addf %scan3A_117, %get3A_246 : vector<16xf32>
          %mul3A_250 = arith.constant 16 : i32
          %mul3A_251 = arith.muli %scan3A_103, %mul3A_250 : i32
          %add3A_252 = arith.constant 13 : i32
          %add3A_253 = arith.addi %mul3A_251, %add3A_252 : i32
          %get3A_254 = arith.index_cast %add3A_253 : i32 to index
          %get3A_255 = arith.index_cast %add3A_52 : i32 to index
          %get3A_256 = tpu.vector_load %arg6[%get3A_254, %get3A_255] {strides = array<i32>} : memref<416x256xf32, #tpu.memory_space<vmem>>, vector<16xf32>,
          %mul3A_257 = arith.mulf %get3A_256, %get3A_256 : vector<16xf32>
          %add3A_258 = arith.addf %add3A_248, %mul3A_257 : vector<16xf32>
          %add3A_259 = arith.addf %scan3A_118, %get3A_256 : vector<16xf32>
          %mul3A_260 = arith.constant 16 : i32
          %mul3A_261 = arith.muli %scan3A_103, %mul3A_260 : i32
          %add3A_262 = arith.constant 14 : i32
          %add3A_263 = arith.addi %mul3A_261, %add3A_262 : i32
          %get3A_264 = arith.index_cast %add3A_263 : i32 to index
          %get3A_265 = arith.index_cast %add3A_52 : i32 to index
          %get3A_266 = tpu.vector_load %arg6[%get3A_264, %get3A_265] {strides = array<i32>} : memref<416x256xf32, #tpu.memory_space<vmem>>, vector<16xf32>,
          %mul3A_267 = arith.mulf %get3A_266, %get3A_266 : vector<16xf32>
          %add3A_268 = arith.addf %add3A_258, %mul3A_267 : vector<16xf32>
          %add3A_269 = arith.addf %scan3A_119, %get3A_266 : vector<16xf32>
          %mul3A_270 = arith.constant 16 : i32
          %mul3A_271 = arith.muli %scan3A_103, %mul3A_270 : i32
          %add3A_272 = arith.constant 15 : i32
          %add3A_273 = arith.addi %mul3A_271, %add3A_272 : i32
          %get3A_274 = arith.index_cast %add3A_273 : i32 to index
          %get3A_275 = arith.index_cast %add3A_52 : i32 to index
          %get3A_276 = tpu.vector_load %arg6[%get3A_274, %get3A_275] {strides = array<i32>} : memref<416x256xf32, #tpu.memory_space<vmem>>, vector<16xf32>,
          %mul3A_277 = arith.mulf %get3A_276, %get3A_276 : vector<16xf32>
          %add3A_278 = arith.addf %add3A_268, %mul3A_277 : vector<16xf32>
          %add3A_279 = arith.addf %scan3A_120, %get3A_276 : vector<16xf32>
          scf.yield %add3A_278, %add3A_129, %add3A_139, %add3A_149, %add3A_159, %add3A_169, %add3A_179, %add3A_189, %add3A_199, %add3A_209, %add3A_219, %add3A_229, %add3A_239, %add3A_249, %add3A_259, %add3A_269, %add3A_279 : vector<16xf32>, vector<16xf32>, vector<16xf32>, vector<16xf32>, vector<16xf32>, vector<16xf32>, vector<16xf32>, vector<16xf32>, vector<16xf32>, vector<16xf32>, vector<16xf32>, vector<16xf32>, vector<16xf32>, vector<16xf32>, vector<16xf32>, vector<16xf32>, vector<16xf32>
        }
        %scan3A_59 = arith.constant 26 : i32
        %neg3A = arith.constant 0.000000e+00 : f32
        %neg3A_60 = vector.broadcast %neg3A : f32 to vector<16xf32>
        %neg3A_61 = arith.subf %neg3A_60, %scan3A_58#0 : vector<16xf32>
        %mul3A_62 = arith.mulf %scan3A_58#1, %scan3A_58#1 : vector<16xf32>
        %add3A_63 = arith.addf %neg3A_61, %mul3A_62 : vector<16xf32>
        %mul3A_64 = arith.mulf %scan3A_58#2, %scan3A_58#2 : vector<16xf32>
        %add3A_65 = arith.addf %add3A_63, %mul3A_64 : vector<16xf32>
        %mul3A_66 = arith.mulf %scan3A_58#3, %scan3A_58#3 : vector<16xf32>
        %add3A_67 = arith.addf %add3A_65, %mul3A_66 : vector<16xf32>
        %mul3A_68 = arith.mulf %scan3A_58#4, %scan3A_58#4 : vector<16xf32>
        %add3A_69 = arith.addf %add3A_67, %mul3A_68 : vector<16xf32>
        %mul3A_70 = arith.mulf %scan3A_58#5, %scan3A_58#5 : vector<16xf32>
        %add3A_71 = arith.addf %add3A_69, %mul3A_70 : vector<16xf32>
        %mul3A_72 = arith.mulf %scan3A_58#6, %scan3A_58#6 : vector<16xf32>
        %add3A_73 = arith.addf %add3A_71, %mul3A_72 : vector<16xf32>
        %mul3A_74 = arith.mulf %scan3A_58#7, %scan3A_58#7 : vector<16xf32>
        %add3A_75 = arith.addf %add3A_73, %mul3A_74 : vector<16xf32>
        %mul3A_76 = arith.mulf %scan3A_58#8, %scan3A_58#8 : vector<16xf32>
        %add3A_77 = arith.addf %add3A_75, %mul3A_76 : vector<16xf32>
        %mul3A_78 = arith.mulf %scan3A_58#9, %scan3A_58#9 : vector<16xf32>
        %add3A_79 = arith.addf %add3A_77, %mul3A_78 : vector<16xf32>
        %mul3A_80 = arith.mulf %scan3A_58#10, %scan3A_58#10 : vector<16xf32>
        %add3A_81 = arith.addf %add3A_79, %mul3A_80 : vector<16xf32>
        %mul3A_82 = arith.mulf %scan3A_58#11, %scan3A_58#11 : vector<16xf32>
        %add3A_83 = arith.addf %add3A_81, %mul3A_82 : vector<16xf32>
        %mul3A_84 = arith.mulf %scan3A_58#12, %scan3A_58#12 : vector<16xf32>
        %add3A_85 = arith.addf %add3A_83, %mul3A_84 : vector<16xf32>
        %mul3A_86 = arith.mulf %scan3A_58#13, %scan3A_58#13 : vector<16xf32>
        %add3A_87 = arith.addf %add3A_85, %mul3A_86 : vector<16xf32>
        %mul3A_88 = arith.mulf %scan3A_58#14, %scan3A_58#14 : vector<16xf32>
        %add3A_89 = arith.addf %add3A_87, %mul3A_88 : vector<16xf32>
        %mul3A_90 = arith.mulf %scan3A_58#15, %scan3A_58#15 : vector<16xf32>
        %add3A_91 = arith.addf %add3A_89, %mul3A_90 : vector<16xf32>
        %mul3A_92 = arith.mulf %scan3A_58#16, %scan3A_58#16 : vector<16xf32>
        %add3A_93 = arith.addf %add3A_91, %mul3A_92 : vector<16xf32>
        %mul3A_94 = arith.constant 8 : i32
        %mul3A_95 = arith.muli %scan3A_17, %mul3A_94 : i32
        %add3A_96 = arith.addi %mul3A_95, %scan3A_47 : i32
        %mul3A_97 = arith.constant 5.000000e-01 : f32
        %mul3A_98 = vector.broadcast %mul3A_97 : f32 to vector<16xf32>
        %mul3A_99 = arith.mulf %mul3A_98, %add3A_93 : vector<16xf32>
        %mul3A_100 = arith.constant 16 : i32
        %mul3A_101 = arith.muli %add3A_96, %mul3A_100 : i32
        %swap3A = arith.index_cast %mul3A_101 : i32 to index
        %swap3A_102 = tpu.vector_load %arg7[%swap3A] {strides = array<i32>} : memref<512xf32, #tpu.memory_space<vmem>>, vector<16xf32>,
        tpu.vector_store %arg7[%swap3A], %mul3A_99 {strides = array<i32>} : memref<512xf32, #tpu.memory_space<vmem>>, vector<16xf32>,
      }
      %scan3A_46 = arith.constant 8 : i32
    }
    %scan3A_16 = arith.constant 4 : i32
    "tpu.region"() ({
      %run_scoped3A = tpu.sem_alloc : memref<!tpu.dma_semaphore, #tpu.memory_space<semaphore_mem>>
      %dma_start3A_17 = tpu.memref_slice %arg4[%mul3A_2] : memref<16384xf32, #tpu.memory_space<hbm>> -> memref<512xf32, #tpu.memory_space<hbm>>
      %dma_start3A_18 = tpu.memref_slice %arg4[%mul3A_2] : memref<16384xf32, #tpu.memory_space<hbm>> -> memref<512xf32, #tpu.memory_space<hbm>>
      tpu.enqueue_dma source(%arg7 : memref<512xf32, #tpu.memory_space<vmem>>) target(%dma_start3A_18 : memref<512xf32, #tpu.memory_space<hbm>>) target_semaphore(%run_scoped3A : memref<!tpu.dma_semaphore, #tpu.memory_space<semaphore_mem>>)
      %dma_wait3A = tpu.memref_slice %arg4[%mul3A_2] : memref<16384xf32, #tpu.memory_space<hbm>> -> memref<512xf32, #tpu.memory_space<hbm>>
      %dma_wait3A_19 = tpu.memref_slice %arg4[%mul3A_2] : memref<16384xf32, #tpu.memory_space<hbm>> -> memref<512xf32, #tpu.memory_space<hbm>>
      tpu.wait_dma2 semaphore(%run_scoped3A : memref<!tpu.dma_semaphore, #tpu.memory_space<semaphore_mem>>) src(%arg7 : memref<512xf32, #tpu.memory_space<vmem>>) dst(%dma_wait3A_19 : memref<512xf32, #tpu.memory_space<hbm>>)
      tpu.yield
    }) : () -> ()
    return
  }
}

#map = affine_map<(d0, d1) -> (0, 0)>
#map1 = affine_map<(d0, d1) -> (0)>
module attributes {stable_mosaic.version = 14 : i64} {
  func.func @_lr_body(%arg0: i32, %arg1: i32, %arg2: memref<26x16384xi32, #tpu.memory_space<hbm>>, %arg3: memref<1x1000000xf32, #tpu.memory_space<hbm>>, %arg4: memref<16xf32, #tpu.memory_space<hbm>>, %arg5: memref<16384xf32, #tpu.memory_space<hbm>>, %arg6: memref<16384xf32, #tpu.memory_space<hbm>>, %arg7: memref<26x512xi32, #tpu.memory_space<vmem>>, %arg8: memref<26x512xf32, #tpu.memory_space<vmem>>, %arg9: memref<512xf32, #tpu.memory_space<vmem>>, %arg10: memref<16xf32, #tpu.memory_space<vmem>>, %arg11: memref<1000000xf32, #tpu.memory_space<vmem_shared>>, %arg12: memref<!tpu.dma_semaphore, #tpu.memory_space<semaphore_mem>>, %arg13: memref<!tpu.dma_semaphore, #tpu.memory_space<semaphore_mem>>, %arg14: memref<!tpu.dma_semaphore, #tpu.memory_space<semaphore_mem>>) attributes {dimension_semantics = [#tpu.dimension_semantics<core_parallel>, #tpu.dimension_semantics<subcore_parallel>], iteration_bounds = array<i64: 2, 16>, scalar_prefetch = 0 : i64, scratch_operands = 8 : i64, tpu.core_type = #tpu.core_type<sc_vector_subcore>, window_params = [{transform_indices = #map}, {transform_indices = #map}, {transform_indices = #map1}, {transform_indices = #map1}, {transform_indices = #map1}]} {
    %mul3A = arith.constant 2 : i32
    %mul3A_0 = arith.muli %arg1, %mul3A : i32
    %add3A = arith.addi %mul3A_0, %arg0 : i32
    %mul3A_1 = arith.constant 512 : i32
    %mul3A_2 = arith.muli %add3A, %mul3A_1 : i32
    %scan3A = arith.constant 0 : i32
    %scan3A_3 = arith.constant 0 : i32
    %scan3A_4 = arith.constant 17 : i32
    %scan3A_5 = arith.addi %scan3A_3, %scan3A_4 : i32
    %scan3A_6 = arith.constant 1 : i32
    scf.for %scan3A_35 = %scan3A_3 to %scan3A_5 step %scan3A_6  : i32 {
      %mul3A_36 = arith.constant 16 : i32
      %mul3A_37 = arith.muli %scan3A_35, %mul3A_36 : i32
      %add3A_38 = arith.addi %mul3A_37, %arg1 : i32
      %lt3A = arith.constant 244 : i32
      %lt3A_39 = arith.cmpi slt, %add3A_38, %lt3A : i32
      %convert_element_type3A = arith.extui %lt3A_39 : i1 to i32
      %cond3A = arith.constant 0 : i32
      %cond3A_40 = arith.cmpi ne, %convert_element_type3A, %cond3A : i32
      scf.if %cond3A_40 {
        %mul3A_45 = arith.constant 4096 : i32
        %mul3A_46 = arith.muli %add3A_38, %mul3A_45 : i32
        %dma_start3A_47 = arith.constant 0 : i32
        %dma_start3A_48 = tpu.memref_slice %arg11[%mul3A_46] : memref<1000000xf32, #tpu.memory_space<vmem_shared>> -> memref<4096xf32, #tpu.memory_space<vmem_shared>>
        %dma_start3A_49 = tpu.memref_slice %arg3[%dma_start3A_47, %mul3A_46] : memref<1x1000000xf32, #tpu.memory_space<hbm>> -> memref<1x4096xf32, #tpu.memory_space<hbm>>
        %dma_start3A_50 = tpu.memref_squeeze %dma_start3A_49 : memref<1x4096xf32, #tpu.memory_space<hbm>> -> memref<4096xf32, #tpu.memory_space<hbm>>
        tpu.enqueue_dma source(%dma_start3A_50 : memref<4096xf32, #tpu.memory_space<hbm>>) target(%dma_start3A_48 : memref<4096xf32, #tpu.memory_space<vmem_shared>>) target_semaphore(%arg14 : memref<!tpu.dma_semaphore, #tpu.memory_space<semaphore_mem>>)
      } else {
      }
      %eq3A = arith.constant 244 : i32
      %eq3A_41 = arith.cmpi eq, %add3A_38, %eq3A : i32
      %convert_element_type3A_42 = arith.extui %eq3A_41 : i1 to i32
      %cond3A_43 = arith.constant 0 : i32
      %cond3A_44 = arith.cmpi ne, %convert_element_type3A_42, %cond3A_43 : i32
      scf.if %cond3A_44 {
        %mul3A_45 = arith.constant 4096 : i32
        %mul3A_46 = arith.muli %add3A_38, %mul3A_45 : i32
        %dma_start3A_47 = arith.constant 0 : i32
        %dma_start3A_48 = tpu.memref_slice %arg11[%mul3A_46] : memref<1000000xf32, #tpu.memory_space<vmem_shared>> -> memref<576xf32, #tpu.memory_space<vmem_shared>>
        %dma_start3A_49 = tpu.memref_slice %arg3[%dma_start3A_47, %mul3A_46] : memref<1x1000000xf32, #tpu.memory_space<hbm>> -> memref<1x576xf32, #tpu.memory_space<hbm>>
        %dma_start3A_50 = tpu.memref_squeeze %dma_start3A_49 : memref<1x576xf32, #tpu.memory_space<hbm>> -> memref<576xf32, #tpu.memory_space<hbm>>
        tpu.enqueue_dma source(%dma_start3A_50 : memref<576xf32, #tpu.memory_space<hbm>>) target(%dma_start3A_48 : memref<576xf32, #tpu.memory_space<vmem_shared>>) target_semaphore(%arg14 : memref<!tpu.dma_semaphore, #tpu.memory_space<semaphore_mem>>)
      } else {
      }
    }
    %scan3A_7 = arith.constant 17 : i32
    "tpu.region"() ({
      %run_scoped3A = tpu.sem_alloc : memref<!tpu.dma_semaphore, #tpu.memory_space<semaphore_mem>>
      %dma_start3A_35 = arith.constant 0 : i32
      %dma_start3A_36 = tpu.memref_slice %arg2[%dma_start3A_35, %mul3A_2] : memref<26x16384xi32, #tpu.memory_space<hbm>> -> memref<26x512xi32, #tpu.memory_space<hbm>>
      %dma_start3A_37 = arith.constant 0 : i32
      %dma_start3A_38 = tpu.memref_slice %arg2[%dma_start3A_37, %mul3A_2] : memref<26x16384xi32, #tpu.memory_space<hbm>> -> memref<26x512xi32, #tpu.memory_space<hbm>>
      tpu.enqueue_dma source(%dma_start3A_38 : memref<26x512xi32, #tpu.memory_space<hbm>>) target(%arg7 : memref<26x512xi32, #tpu.memory_space<vmem>>) target_semaphore(%run_scoped3A : memref<!tpu.dma_semaphore, #tpu.memory_space<semaphore_mem>>)
      %dma_wait3A_39 = arith.constant 0 : i32
      %dma_wait3A_40 = tpu.memref_slice %arg2[%dma_wait3A_39, %mul3A_2] : memref<26x16384xi32, #tpu.memory_space<hbm>> -> memref<26x512xi32, #tpu.memory_space<hbm>>
      %dma_wait3A_41 = arith.constant 0 : i32
      %dma_wait3A_42 = tpu.memref_slice %arg2[%dma_wait3A_41, %mul3A_2] : memref<26x16384xi32, #tpu.memory_space<hbm>> -> memref<26x512xi32, #tpu.memory_space<hbm>>
      tpu.wait_dma2 semaphore(%run_scoped3A : memref<!tpu.dma_semaphore, #tpu.memory_space<semaphore_mem>>) src(%dma_wait3A_42 : memref<26x512xi32, #tpu.memory_space<hbm>>) dst(%arg7 : memref<26x512xi32, #tpu.memory_space<vmem>>)
      tpu.yield
    }) : () -> ()
    %dma_start3A = tpu.memref_slice %arg5[%mul3A_2] : memref<16384xf32, #tpu.memory_space<hbm>> -> memref<512xf32, #tpu.memory_space<hbm>>
    %dma_start3A_8 = tpu.memref_slice %arg5[%mul3A_2] : memref<16384xf32, #tpu.memory_space<hbm>> -> memref<512xf32, #tpu.memory_space<hbm>>
    tpu.enqueue_dma source(%dma_start3A_8 : memref<512xf32, #tpu.memory_space<hbm>>) target(%arg9 : memref<512xf32, #tpu.memory_space<vmem>>) target_semaphore(%arg13 : memref<!tpu.dma_semaphore, #tpu.memory_space<semaphore_mem>>)
    "tpu.region"() ({
      %run_scoped3A = tpu.sem_alloc : memref<!tpu.dma_semaphore, #tpu.memory_space<semaphore_mem>>
      tpu.enqueue_dma source(%arg4 : memref<16xf32, #tpu.memory_space<hbm>>) target(%arg10 : memref<16xf32, #tpu.memory_space<vmem>>) target_semaphore(%run_scoped3A : memref<!tpu.dma_semaphore, #tpu.memory_space<semaphore_mem>>)
      tpu.wait_dma2 semaphore(%run_scoped3A : memref<!tpu.dma_semaphore, #tpu.memory_space<semaphore_mem>>) src(%arg4 : memref<16xf32, #tpu.memory_space<hbm>>) dst(%arg10 : memref<16xf32, #tpu.memory_space<vmem>>)
      tpu.yield
    }) : () -> ()
    %scan3A_9 = arith.constant 0 : i32
    %scan3A_10 = arith.constant 0 : i32
    %scan3A_11 = arith.constant 17 : i32
    %scan3A_12 = arith.addi %scan3A_10, %scan3A_11 : i32
    %scan3A_13 = arith.constant 1 : i32
    scf.for %scan3A_35 = %scan3A_10 to %scan3A_12 step %scan3A_13  : i32 {
      %mul3A_36 = arith.constant 16 : i32
      %mul3A_37 = arith.muli %scan3A_35, %mul3A_36 : i32
      %add3A_38 = arith.addi %mul3A_37, %arg1 : i32
      %lt3A = arith.constant 244 : i32
      %lt3A_39 = arith.cmpi slt, %add3A_38, %lt3A : i32
      %convert_element_type3A = arith.extui %lt3A_39 : i1 to i32
      %cond3A = arith.constant 0 : i32
      %cond3A_40 = arith.cmpi ne, %convert_element_type3A, %cond3A : i32
      scf.if %cond3A_40 {
        %mul3A_45 = arith.constant 4096 : i32
        %mul3A_46 = arith.muli %add3A_38, %mul3A_45 : i32
        %dma_wait3A_47 = arith.constant 0 : i32
        %dma_wait3A_48 = tpu.memref_slice %arg11[%mul3A_46] : memref<1000000xf32, #tpu.memory_space<vmem_shared>> -> memref<4096xf32, #tpu.memory_space<vmem_shared>>
        %dma_wait3A_49 = tpu.memref_slice %arg3[%dma_wait3A_47, %mul3A_46] : memref<1x1000000xf32, #tpu.memory_space<hbm>> -> memref<1x4096xf32, #tpu.memory_space<hbm>>
        %dma_wait3A_50 = tpu.memref_squeeze %dma_wait3A_49 : memref<1x4096xf32, #tpu.memory_space<hbm>> -> memref<4096xf32, #tpu.memory_space<hbm>>
        tpu.wait_dma2 semaphore(%arg14 : memref<!tpu.dma_semaphore, #tpu.memory_space<semaphore_mem>>) src(%dma_wait3A_50 : memref<4096xf32, #tpu.memory_space<hbm>>) dst(%dma_wait3A_48 : memref<4096xf32, #tpu.memory_space<vmem_shared>>)
      } else {
      }
      %eq3A = arith.constant 244 : i32
      %eq3A_41 = arith.cmpi eq, %add3A_38, %eq3A : i32
      %convert_element_type3A_42 = arith.extui %eq3A_41 : i1 to i32
      %cond3A_43 = arith.constant 0 : i32
      %cond3A_44 = arith.cmpi ne, %convert_element_type3A_42, %cond3A_43 : i32
      scf.if %cond3A_44 {
        %mul3A_45 = arith.constant 4096 : i32
        %mul3A_46 = arith.muli %add3A_38, %mul3A_45 : i32
        %dma_wait3A_47 = arith.constant 0 : i32
        %dma_wait3A_48 = tpu.memref_slice %arg11[%mul3A_46] : memref<1000000xf32, #tpu.memory_space<vmem_shared>> -> memref<576xf32, #tpu.memory_space<vmem_shared>>
        %dma_wait3A_49 = tpu.memref_slice %arg3[%dma_wait3A_47, %mul3A_46] : memref<1x1000000xf32, #tpu.memory_space<hbm>> -> memref<1x576xf32, #tpu.memory_space<hbm>>
        %dma_wait3A_50 = tpu.memref_squeeze %dma_wait3A_49 : memref<1x576xf32, #tpu.memory_space<hbm>> -> memref<576xf32, #tpu.memory_space<hbm>>
        tpu.wait_dma2 semaphore(%arg14 : memref<!tpu.dma_semaphore, #tpu.memory_space<semaphore_mem>>) src(%dma_wait3A_50 : memref<576xf32, #tpu.memory_space<hbm>>) dst(%dma_wait3A_48 : memref<576xf32, #tpu.memory_space<vmem_shared>>)
      } else {
      }
    }
    %scan3A_14 = arith.constant 17 : i32
    %barrier3A = arith.constant 0 : index
    tpu.barrier barrier_id(%barrier3A)
    %scan3A_15 = arith.constant 0 : i32
    %scan3A_16 = arith.constant 0 : i32
    %scan3A_17 = arith.constant 26 : i32
    %scan3A_18 = arith.addi %scan3A_16, %scan3A_17 : i32
    %scan3A_19 = arith.constant 1 : i32
    scf.for %scan3A_35 = %scan3A_16 to %scan3A_18 step %scan3A_19  : i32 {
      %dma_start3A_36 = arith.constant 0 : i32
      %dma_start3A_37 = tpu.memref_slice %arg8[%scan3A_35, %dma_start3A_36] : memref<26x512xf32, #tpu.memory_space<vmem>> -> memref<1x128xf32, #tpu.memory_space<vmem>>
      %dma_start3A_38 = tpu.memref_squeeze %dma_start3A_37 : memref<1x128xf32, #tpu.memory_space<vmem>> -> memref<128xf32, #tpu.memory_space<vmem>>
      %dma_start3A_39 = arith.constant 0 : i32
      %dma_start3A_40 = tpu.memref_slice %arg7[%scan3A_35, %dma_start3A_39] : memref<26x512xi32, #tpu.memory_space<vmem>> -> memref<1x128xi32, #tpu.memory_space<vmem>>
      %dma_start3A_41 = tpu.memref_squeeze %dma_start3A_40 : memref<1x128xi32, #tpu.memory_space<vmem>> -> memref<128xi32, #tpu.memory_space<vmem>>
      %dma_start3A_42 = arith.constant 0 : i32
      %dma_start3A_43 = tpu.memref_slice %arg11[%dma_start3A_42] : memref<1000000xf32, #tpu.memory_space<vmem_shared>> -> memref<1000000xf32, #tpu.memory_space<vmem_shared>>
      tpu.enqueue_indirect_dma source(%dma_start3A_43 : memref<1000000xf32, #tpu.memory_space<vmem_shared>>) target(%dma_start3A_38 : memref<128xf32, #tpu.memory_space<vmem>>) offsets(%dma_start3A_41 : memref<128xi32, #tpu.memory_space<vmem>>) semaphore(%arg12 : memref<!tpu.dma_semaphore, #tpu.memory_space<semaphore_mem>>)
      %dma_start3A_44 = arith.constant 128 : i32
      %dma_start3A_45 = tpu.memref_slice %arg8[%scan3A_35, %dma_start3A_44] : memref<26x512xf32, #tpu.memory_space<vmem>> -> memref<1x128xf32, #tpu.memory_space<vmem>>
      %dma_start3A_46 = tpu.memref_squeeze %dma_start3A_45 : memref<1x128xf32, #tpu.memory_space<vmem>> -> memref<128xf32, #tpu.memory_space<vmem>>
      %dma_start3A_47 = arith.constant 128 : i32
      %dma_start3A_48 = tpu.memref_slice %arg7[%scan3A_35, %dma_start3A_47] : memref<26x512xi32, #tpu.memory_space<vmem>> -> memref<1x128xi32, #tpu.memory_space<vmem>>
      %dma_start3A_49 = tpu.memref_squeeze %dma_start3A_48 : memref<1x128xi32, #tpu.memory_space<vmem>> -> memref<128xi32, #tpu.memory_space<vmem>>
      %dma_start3A_50 = arith.constant 0 : i32
      %dma_start3A_51 = tpu.memref_slice %arg11[%dma_start3A_50] : memref<1000000xf32, #tpu.memory_space<vmem_shared>> -> memref<1000000xf32, #tpu.memory_space<vmem_shared>>
      tpu.enqueue_indirect_dma source(%dma_start3A_51 : memref<1000000xf32, #tpu.memory_space<vmem_shared>>) target(%dma_start3A_46 : memref<128xf32, #tpu.memory_space<vmem>>) offsets(%dma_start3A_49 : memref<128xi32, #tpu.memory_space<vmem>>) semaphore(%arg12 : memref<!tpu.dma_semaphore, #tpu.memory_space<semaphore_mem>>)
      %dma_start3A_52 = arith.constant 256 : i32
      %dma_start3A_53 = tpu.memref_slice %arg8[%scan3A_35, %dma_start3A_52] : memref<26x512xf32, #tpu.memory_space<vmem>> -> memref<1x128xf32, #tpu.memory_space<vmem>>
      %dma_start3A_54 = tpu.memref_squeeze %dma_start3A_53 : memref<1x128xf32, #tpu.memory_space<vmem>> -> memref<128xf32, #tpu.memory_space<vmem>>
      %dma_start3A_55 = arith.constant 256 : i32
      %dma_start3A_56 = tpu.memref_slice %arg7[%scan3A_35, %dma_start3A_55] : memref<26x512xi32, #tpu.memory_space<vmem>> -> memref<1x128xi32, #tpu.memory_space<vmem>>
      %dma_start3A_57 = tpu.memref_squeeze %dma_start3A_56 : memref<1x128xi32, #tpu.memory_space<vmem>> -> memref<128xi32, #tpu.memory_space<vmem>>
      %dma_start3A_58 = arith.constant 0 : i32
      %dma_start3A_59 = tpu.memref_slice %arg11[%dma_start3A_58] : memref<1000000xf32, #tpu.memory_space<vmem_shared>> -> memref<1000000xf32, #tpu.memory_space<vmem_shared>>
      tpu.enqueue_indirect_dma source(%dma_start3A_59 : memref<1000000xf32, #tpu.memory_space<vmem_shared>>) target(%dma_start3A_54 : memref<128xf32, #tpu.memory_space<vmem>>) offsets(%dma_start3A_57 : memref<128xi32, #tpu.memory_space<vmem>>) semaphore(%arg12 : memref<!tpu.dma_semaphore, #tpu.memory_space<semaphore_mem>>)
      %dma_start3A_60 = arith.constant 384 : i32
      %dma_start3A_61 = tpu.memref_slice %arg8[%scan3A_35, %dma_start3A_60] : memref<26x512xf32, #tpu.memory_space<vmem>> -> memref<1x128xf32, #tpu.memory_space<vmem>>
      %dma_start3A_62 = tpu.memref_squeeze %dma_start3A_61 : memref<1x128xf32, #tpu.memory_space<vmem>> -> memref<128xf32, #tpu.memory_space<vmem>>
      %dma_start3A_63 = arith.constant 384 : i32
      %dma_start3A_64 = tpu.memref_slice %arg7[%scan3A_35, %dma_start3A_63] : memref<26x512xi32, #tpu.memory_space<vmem>> -> memref<1x128xi32, #tpu.memory_space<vmem>>
      %dma_start3A_65 = tpu.memref_squeeze %dma_start3A_64 : memref<1x128xi32, #tpu.memory_space<vmem>> -> memref<128xi32, #tpu.memory_space<vmem>>
      %dma_start3A_66 = arith.constant 0 : i32
      %dma_start3A_67 = tpu.memref_slice %arg11[%dma_start3A_66] : memref<1000000xf32, #tpu.memory_space<vmem_shared>> -> memref<1000000xf32, #tpu.memory_space<vmem_shared>>
      tpu.enqueue_indirect_dma source(%dma_start3A_67 : memref<1000000xf32, #tpu.memory_space<vmem_shared>>) target(%dma_start3A_62 : memref<128xf32, #tpu.memory_space<vmem>>) offsets(%dma_start3A_65 : memref<128xi32, #tpu.memory_space<vmem>>) semaphore(%arg12 : memref<!tpu.dma_semaphore, #tpu.memory_space<semaphore_mem>>)
    }
    %scan3A_20 = arith.constant 26 : i32
    %dma_wait3A = tpu.memref_slice %arg5[%mul3A_2] : memref<16384xf32, #tpu.memory_space<hbm>> -> memref<512xf32, #tpu.memory_space<hbm>>
    %dma_wait3A_21 = tpu.memref_slice %arg5[%mul3A_2] : memref<16384xf32, #tpu.memory_space<hbm>> -> memref<512xf32, #tpu.memory_space<hbm>>
    tpu.wait_dma2 semaphore(%arg13 : memref<!tpu.dma_semaphore, #tpu.memory_space<semaphore_mem>>) src(%dma_wait3A_21 : memref<512xf32, #tpu.memory_space<hbm>>) dst(%arg9 : memref<512xf32, #tpu.memory_space<vmem>>)
    %scan3A_22 = arith.constant 0 : i32
    %scan3A_23 = arith.constant 0 : i32
    %scan3A_24 = arith.constant 26 : i32
    %scan3A_25 = arith.addi %scan3A_23, %scan3A_24 : i32
    %scan3A_26 = arith.constant 1 : i32
    scf.for %scan3A_35 = %scan3A_23 to %scan3A_25 step %scan3A_26  : i32 {
      %dma_wait3A_36 = arith.constant 0 : i32
      %dma_wait3A_37 = tpu.memref_slice %arg8[%scan3A_35, %dma_wait3A_36] : memref<26x512xf32, #tpu.memory_space<vmem>> -> memref<1x128xf32, #tpu.memory_space<vmem>>
      %dma_wait3A_38 = tpu.memref_squeeze %dma_wait3A_37 : memref<1x128xf32, #tpu.memory_space<vmem>> -> memref<128xf32, #tpu.memory_space<vmem>>
      %dma_wait3A_39 = arith.constant 0 : i32
      %dma_wait3A_40 = tpu.memref_slice %arg7[%scan3A_35, %dma_wait3A_39] : memref<26x512xi32, #tpu.memory_space<vmem>> -> memref<1x128xi32, #tpu.memory_space<vmem>>
      %dma_wait3A_41 = tpu.memref_squeeze %dma_wait3A_40 : memref<1x128xi32, #tpu.memory_space<vmem>> -> memref<128xi32, #tpu.memory_space<vmem>>
      %dma_wait3A_42 = arith.constant 0 : i32
      %dma_wait3A_43 = tpu.memref_slice %arg11[%dma_wait3A_42] : memref<1000000xf32, #tpu.memory_space<vmem_shared>> -> memref<1000000xf32, #tpu.memory_space<vmem_shared>>
      tpu.wait_indirect_dma semaphore(%arg12 : memref<!tpu.dma_semaphore, #tpu.memory_space<semaphore_mem>>) src(%dma_wait3A_43 : memref<1000000xf32, #tpu.memory_space<vmem_shared>>) dst(%dma_wait3A_38 : memref<128xf32, #tpu.memory_space<vmem>>)
      %dma_wait3A_44 = arith.constant 128 : i32
      %dma_wait3A_45 = tpu.memref_slice %arg8[%scan3A_35, %dma_wait3A_44] : memref<26x512xf32, #tpu.memory_space<vmem>> -> memref<1x128xf32, #tpu.memory_space<vmem>>
      %dma_wait3A_46 = tpu.memref_squeeze %dma_wait3A_45 : memref<1x128xf32, #tpu.memory_space<vmem>> -> memref<128xf32, #tpu.memory_space<vmem>>
      %dma_wait3A_47 = arith.constant 128 : i32
      %dma_wait3A_48 = tpu.memref_slice %arg7[%scan3A_35, %dma_wait3A_47] : memref<26x512xi32, #tpu.memory_space<vmem>> -> memref<1x128xi32, #tpu.memory_space<vmem>>
      %dma_wait3A_49 = tpu.memref_squeeze %dma_wait3A_48 : memref<1x128xi32, #tpu.memory_space<vmem>> -> memref<128xi32, #tpu.memory_space<vmem>>
      %dma_wait3A_50 = arith.constant 0 : i32
      %dma_wait3A_51 = tpu.memref_slice %arg11[%dma_wait3A_50] : memref<1000000xf32, #tpu.memory_space<vmem_shared>> -> memref<1000000xf32, #tpu.memory_space<vmem_shared>>
      tpu.wait_indirect_dma semaphore(%arg12 : memref<!tpu.dma_semaphore, #tpu.memory_space<semaphore_mem>>) src(%dma_wait3A_51 : memref<1000000xf32, #tpu.memory_space<vmem_shared>>) dst(%dma_wait3A_46 : memref<128xf32, #tpu.memory_space<vmem>>)
      %dma_wait3A_52 = arith.constant 256 : i32
      %dma_wait3A_53 = tpu.memref_slice %arg8[%scan3A_35, %dma_wait3A_52] : memref<26x512xf32, #tpu.memory_space<vmem>> -> memref<1x128xf32, #tpu.memory_space<vmem>>
      %dma_wait3A_54 = tpu.memref_squeeze %dma_wait3A_53 : memref<1x128xf32, #tpu.memory_space<vmem>> -> memref<128xf32, #tpu.memory_space<vmem>>
      %dma_wait3A_55 = arith.constant 256 : i32
      %dma_wait3A_56 = tpu.memref_slice %arg7[%scan3A_35, %dma_wait3A_55] : memref<26x512xi32, #tpu.memory_space<vmem>> -> memref<1x128xi32, #tpu.memory_space<vmem>>
      %dma_wait3A_57 = tpu.memref_squeeze %dma_wait3A_56 : memref<1x128xi32, #tpu.memory_space<vmem>> -> memref<128xi32, #tpu.memory_space<vmem>>
      %dma_wait3A_58 = arith.constant 0 : i32
      %dma_wait3A_59 = tpu.memref_slice %arg11[%dma_wait3A_58] : memref<1000000xf32, #tpu.memory_space<vmem_shared>> -> memref<1000000xf32, #tpu.memory_space<vmem_shared>>
      tpu.wait_indirect_dma semaphore(%arg12 : memref<!tpu.dma_semaphore, #tpu.memory_space<semaphore_mem>>) src(%dma_wait3A_59 : memref<1000000xf32, #tpu.memory_space<vmem_shared>>) dst(%dma_wait3A_54 : memref<128xf32, #tpu.memory_space<vmem>>)
      %dma_wait3A_60 = arith.constant 384 : i32
      %dma_wait3A_61 = tpu.memref_slice %arg8[%scan3A_35, %dma_wait3A_60] : memref<26x512xf32, #tpu.memory_space<vmem>> -> memref<1x128xf32, #tpu.memory_space<vmem>>
      %dma_wait3A_62 = tpu.memref_squeeze %dma_wait3A_61 : memref<1x128xf32, #tpu.memory_space<vmem>> -> memref<128xf32, #tpu.memory_space<vmem>>
      %dma_wait3A_63 = arith.constant 384 : i32
      %dma_wait3A_64 = tpu.memref_slice %arg7[%scan3A_35, %dma_wait3A_63] : memref<26x512xi32, #tpu.memory_space<vmem>> -> memref<1x128xi32, #tpu.memory_space<vmem>>
      %dma_wait3A_65 = tpu.memref_squeeze %dma_wait3A_64 : memref<1x128xi32, #tpu.memory_space<vmem>> -> memref<128xi32, #tpu.memory_space<vmem>>
      %dma_wait3A_66 = arith.constant 0 : i32
      %dma_wait3A_67 = tpu.memref_slice %arg11[%dma_wait3A_66] : memref<1000000xf32, #tpu.memory_space<vmem_shared>> -> memref<1000000xf32, #tpu.memory_space<vmem_shared>>
      tpu.wait_indirect_dma semaphore(%arg12 : memref<!tpu.dma_semaphore, #tpu.memory_space<semaphore_mem>>) src(%dma_wait3A_67 : memref<1000000xf32, #tpu.memory_space<vmem_shared>>) dst(%dma_wait3A_62 : memref<128xf32, #tpu.memory_space<vmem>>)
    }
    %scan3A_27 = arith.constant 26 : i32
    %get3A = arith.constant 0 : index
    %get3A_28 = tpu.vector_load %arg10[%get3A] {strides = array<i32>} : memref<16xf32, #tpu.memory_space<vmem>>, vector<16xf32>,
    %scan3A_29 = arith.constant 0 : i32
    %scan3A_30 = arith.constant 0 : i32
    %scan3A_31 = arith.constant 32 : i32
    %scan3A_32 = arith.addi %scan3A_30, %scan3A_31 : i32
    %scan3A_33 = arith.constant 1 : i32
    scf.for %scan3A_35 = %scan3A_30 to %scan3A_32 step %scan3A_33  : i32 {
      %mul3A_36 = arith.constant 16 : i32
      %mul3A_37 = arith.muli %scan3A_35, %mul3A_36 : i32
      %get3A_38 = arith.index_cast %mul3A_37 : i32 to index
      %get3A_39 = tpu.vector_load %arg9[%get3A_38] {strides = array<i32>} : memref<512xf32, #tpu.memory_space<vmem>>, vector<16xf32>,
      %add3A_40 = arith.addf %get3A_39, %get3A_28 : vector<16xf32>
      %mul3A_41 = arith.constant 16 : i32
      %mul3A_42 = arith.muli %scan3A_35, %mul3A_41 : i32
      %get3A_43 = arith.constant 0 : i32
      %get3A_44 = arith.index_cast %get3A_43 : i32 to index
      %get3A_45 = arith.index_cast %mul3A_42 : i32 to index
      %get3A_46 = tpu.vector_load %arg8[%get3A_44, %get3A_45] {strides = array<i32>} : memref<26x512xf32, #tpu.memory_space<vmem>>, vector<16xf32>,
      %add3A_47 = arith.addf %add3A_40, %get3A_46 : vector<16xf32>
      %mul3A_48 = arith.constant 16 : i32
      %mul3A_49 = arith.muli %scan3A_35, %mul3A_48 : i32
      %get3A_50 = arith.constant 1 : i32
      %get3A_51 = arith.index_cast %get3A_50 : i32 to index
      %get3A_52 = arith.index_cast %mul3A_49 : i32 to index
      %get3A_53 = tpu.vector_load %arg8[%get3A_51, %get3A_52] {strides = array<i32>} : memref<26x512xf32, #tpu.memory_space<vmem>>, vector<16xf32>,
      %add3A_54 = arith.addf %add3A_47, %get3A_53 : vector<16xf32>
      %mul3A_55 = arith.constant 16 : i32
      %mul3A_56 = arith.muli %scan3A_35, %mul3A_55 : i32
      %get3A_57 = arith.constant 2 : i32
      %get3A_58 = arith.index_cast %get3A_57 : i32 to index
      %get3A_59 = arith.index_cast %mul3A_56 : i32 to index
      %get3A_60 = tpu.vector_load %arg8[%get3A_58, %get3A_59] {strides = array<i32>} : memref<26x512xf32, #tpu.memory_space<vmem>>, vector<16xf32>,
      %add3A_61 = arith.addf %add3A_54, %get3A_60 : vector<16xf32>
      %mul3A_62 = arith.constant 16 : i32
      %mul3A_63 = arith.muli %scan3A_35, %mul3A_62 : i32
      %get3A_64 = arith.constant 3 : i32
      %get3A_65 = arith.index_cast %get3A_64 : i32 to index
      %get3A_66 = arith.index_cast %mul3A_63 : i32 to index
      %get3A_67 = tpu.vector_load %arg8[%get3A_65, %get3A_66] {strides = array<i32>} : memref<26x512xf32, #tpu.memory_space<vmem>>, vector<16xf32>,
      %add3A_68 = arith.addf %add3A_61, %get3A_67 : vector<16xf32>
      %mul3A_69 = arith.constant 16 : i32
      %mul3A_70 = arith.muli %scan3A_35, %mul3A_69 : i32
      %get3A_71 = arith.constant 4 : i32
      %get3A_72 = arith.index_cast %get3A_71 : i32 to index
      %get3A_73 = arith.index_cast %mul3A_70 : i32 to index
      %get3A_74 = tpu.vector_load %arg8[%get3A_72, %get3A_73] {strides = array<i32>} : memref<26x512xf32, #tpu.memory_space<vmem>>, vector<16xf32>,
      %add3A_75 = arith.addf %add3A_68, %get3A_74 : vector<16xf32>
      %mul3A_76 = arith.constant 16 : i32
      %mul3A_77 = arith.muli %scan3A_35, %mul3A_76 : i32
      %get3A_78 = arith.constant 5 : i32
      %get3A_79 = arith.index_cast %get3A_78 : i32 to index
      %get3A_80 = arith.index_cast %mul3A_77 : i32 to index
      %get3A_81 = tpu.vector_load %arg8[%get3A_79, %get3A_80] {strides = array<i32>} : memref<26x512xf32, #tpu.memory_space<vmem>>, vector<16xf32>,
      %add3A_82 = arith.addf %add3A_75, %get3A_81 : vector<16xf32>
      %mul3A_83 = arith.constant 16 : i32
      %mul3A_84 = arith.muli %scan3A_35, %mul3A_83 : i32
      %get3A_85 = arith.constant 6 : i32
      %get3A_86 = arith.index_cast %get3A_85 : i32 to index
      %get3A_87 = arith.index_cast %mul3A_84 : i32 to index
      %get3A_88 = tpu.vector_load %arg8[%get3A_86, %get3A_87] {strides = array<i32>} : memref<26x512xf32, #tpu.memory_space<vmem>>, vector<16xf32>,
      %add3A_89 = arith.addf %add3A_82, %get3A_88 : vector<16xf32>
      %mul3A_90 = arith.constant 16 : i32
      %mul3A_91 = arith.muli %scan3A_35, %mul3A_90 : i32
      %get3A_92 = arith.constant 7 : i32
      %get3A_93 = arith.index_cast %get3A_92 : i32 to index
      %get3A_94 = arith.index_cast %mul3A_91 : i32 to index
      %get3A_95 = tpu.vector_load %arg8[%get3A_93, %get3A_94] {strides = array<i32>} : memref<26x512xf32, #tpu.memory_space<vmem>>, vector<16xf32>,
      %add3A_96 = arith.addf %add3A_89, %get3A_95 : vector<16xf32>
      %mul3A_97 = arith.constant 16 : i32
      %mul3A_98 = arith.muli %scan3A_35, %mul3A_97 : i32
      %get3A_99 = arith.constant 8 : i32
      %get3A_100 = arith.index_cast %get3A_99 : i32 to index
      %get3A_101 = arith.index_cast %mul3A_98 : i32 to index
      %get3A_102 = tpu.vector_load %arg8[%get3A_100, %get3A_101] {strides = array<i32>} : memref<26x512xf32, #tpu.memory_space<vmem>>, vector<16xf32>,
      %add3A_103 = arith.addf %add3A_96, %get3A_102 : vector<16xf32>
      %mul3A_104 = arith.constant 16 : i32
      %mul3A_105 = arith.muli %scan3A_35, %mul3A_104 : i32
      %get3A_106 = arith.constant 9 : i32
      %get3A_107 = arith.index_cast %get3A_106 : i32 to index
      %get3A_108 = arith.index_cast %mul3A_105 : i32 to index
      %get3A_109 = tpu.vector_load %arg8[%get3A_107, %get3A_108] {strides = array<i32>} : memref<26x512xf32, #tpu.memory_space<vmem>>, vector<16xf32>,
      %add3A_110 = arith.addf %add3A_103, %get3A_109 : vector<16xf32>
      %mul3A_111 = arith.constant 16 : i32
      %mul3A_112 = arith.muli %scan3A_35, %mul3A_111 : i32
      %get3A_113 = arith.constant 10 : i32
      %get3A_114 = arith.index_cast %get3A_113 : i32 to index
      %get3A_115 = arith.index_cast %mul3A_112 : i32 to index
      %get3A_116 = tpu.vector_load %arg8[%get3A_114, %get3A_115] {strides = array<i32>} : memref<26x512xf32, #tpu.memory_space<vmem>>, vector<16xf32>,
      %add3A_117 = arith.addf %add3A_110, %get3A_116 : vector<16xf32>
      %mul3A_118 = arith.constant 16 : i32
      %mul3A_119 = arith.muli %scan3A_35, %mul3A_118 : i32
      %get3A_120 = arith.constant 11 : i32
      %get3A_121 = arith.index_cast %get3A_120 : i32 to index
      %get3A_122 = arith.index_cast %mul3A_119 : i32 to index
      %get3A_123 = tpu.vector_load %arg8[%get3A_121, %get3A_122] {strides = array<i32>} : memref<26x512xf32, #tpu.memory_space<vmem>>, vector<16xf32>,
      %add3A_124 = arith.addf %add3A_117, %get3A_123 : vector<16xf32>
      %mul3A_125 = arith.constant 16 : i32
      %mul3A_126 = arith.muli %scan3A_35, %mul3A_125 : i32
      %get3A_127 = arith.constant 12 : i32
      %get3A_128 = arith.index_cast %get3A_127 : i32 to index
      %get3A_129 = arith.index_cast %mul3A_126 : i32 to index
      %get3A_130 = tpu.vector_load %arg8[%get3A_128, %get3A_129] {strides = array<i32>} : memref<26x512xf32, #tpu.memory_space<vmem>>, vector<16xf32>,
      %add3A_131 = arith.addf %add3A_124, %get3A_130 : vector<16xf32>
      %mul3A_132 = arith.constant 16 : i32
      %mul3A_133 = arith.muli %scan3A_35, %mul3A_132 : i32
      %get3A_134 = arith.constant 13 : i32
      %get3A_135 = arith.index_cast %get3A_134 : i32 to index
      %get3A_136 = arith.index_cast %mul3A_133 : i32 to index
      %get3A_137 = tpu.vector_load %arg8[%get3A_135, %get3A_136] {strides = array<i32>} : memref<26x512xf32, #tpu.memory_space<vmem>>, vector<16xf32>,
      %add3A_138 = arith.addf %add3A_131, %get3A_137 : vector<16xf32>
      %mul3A_139 = arith.constant 16 : i32
      %mul3A_140 = arith.muli %scan3A_35, %mul3A_139 : i32
      %get3A_141 = arith.constant 14 : i32
      %get3A_142 = arith.index_cast %get3A_141 : i32 to index
      %get3A_143 = arith.index_cast %mul3A_140 : i32 to index
      %get3A_144 = tpu.vector_load %arg8[%get3A_142, %get3A_143] {strides = array<i32>} : memref<26x512xf32, #tpu.memory_space<vmem>>, vector<16xf32>,
      %add3A_145 = arith.addf %add3A_138, %get3A_144 : vector<16xf32>
      %mul3A_146 = arith.constant 16 : i32
      %mul3A_147 = arith.muli %scan3A_35, %mul3A_146 : i32
      %get3A_148 = arith.constant 15 : i32
      %get3A_149 = arith.index_cast %get3A_148 : i32 to index
      %get3A_150 = arith.index_cast %mul3A_147 : i32 to index
      %get3A_151 = tpu.vector_load %arg8[%get3A_149, %get3A_150] {strides = array<i32>} : memref<26x512xf32, #tpu.memory_space<vmem>>, vector<16xf32>,
      %add3A_152 = arith.addf %add3A_145, %get3A_151 : vector<16xf32>
      %mul3A_153 = arith.constant 16 : i32
      %mul3A_154 = arith.muli %scan3A_35, %mul3A_153 : i32
      %get3A_155 = arith.constant 16 : i32
      %get3A_156 = arith.index_cast %get3A_155 : i32 to index
      %get3A_157 = arith.index_cast %mul3A_154 : i32 to index
      %get3A_158 = tpu.vector_load %arg8[%get3A_156, %get3A_157] {strides = array<i32>} : memref<26x512xf32, #tpu.memory_space<vmem>>, vector<16xf32>,
      %add3A_159 = arith.addf %add3A_152, %get3A_158 : vector<16xf32>
      %mul3A_160 = arith.constant 16 : i32
      %mul3A_161 = arith.muli %scan3A_35, %mul3A_160 : i32
      %get3A_162 = arith.constant 17 : i32
      %get3A_163 = arith.index_cast %get3A_162 : i32 to index
      %get3A_164 = arith.index_cast %mul3A_161 : i32 to index
      %get3A_165 = tpu.vector_load %arg8[%get3A_163, %get3A_164] {strides = array<i32>} : memref<26x512xf32, #tpu.memory_space<vmem>>, vector<16xf32>,
      %add3A_166 = arith.addf %add3A_159, %get3A_165 : vector<16xf32>
      %mul3A_167 = arith.constant 16 : i32
      %mul3A_168 = arith.muli %scan3A_35, %mul3A_167 : i32
      %get3A_169 = arith.constant 18 : i32
      %get3A_170 = arith.index_cast %get3A_169 : i32 to index
      %get3A_171 = arith.index_cast %mul3A_168 : i32 to index
      %get3A_172 = tpu.vector_load %arg8[%get3A_170, %get3A_171] {strides = array<i32>} : memref<26x512xf32, #tpu.memory_space<vmem>>, vector<16xf32>,
      %add3A_173 = arith.addf %add3A_166, %get3A_172 : vector<16xf32>
      %mul3A_174 = arith.constant 16 : i32
      %mul3A_175 = arith.muli %scan3A_35, %mul3A_174 : i32
      %get3A_176 = arith.constant 19 : i32
      %get3A_177 = arith.index_cast %get3A_176 : i32 to index
      %get3A_178 = arith.index_cast %mul3A_175 : i32 to index
      %get3A_179 = tpu.vector_load %arg8[%get3A_177, %get3A_178] {strides = array<i32>} : memref<26x512xf32, #tpu.memory_space<vmem>>, vector<16xf32>,
      %add3A_180 = arith.addf %add3A_173, %get3A_179 : vector<16xf32>
      %mul3A_181 = arith.constant 16 : i32
      %mul3A_182 = arith.muli %scan3A_35, %mul3A_181 : i32
      %get3A_183 = arith.constant 20 : i32
      %get3A_184 = arith.index_cast %get3A_183 : i32 to index
      %get3A_185 = arith.index_cast %mul3A_182 : i32 to index
      %get3A_186 = tpu.vector_load %arg8[%get3A_184, %get3A_185] {strides = array<i32>} : memref<26x512xf32, #tpu.memory_space<vmem>>, vector<16xf32>,
      %add3A_187 = arith.addf %add3A_180, %get3A_186 : vector<16xf32>
      %mul3A_188 = arith.constant 16 : i32
      %mul3A_189 = arith.muli %scan3A_35, %mul3A_188 : i32
      %get3A_190 = arith.constant 21 : i32
      %get3A_191 = arith.index_cast %get3A_190 : i32 to index
      %get3A_192 = arith.index_cast %mul3A_189 : i32 to index
      %get3A_193 = tpu.vector_load %arg8[%get3A_191, %get3A_192] {strides = array<i32>} : memref<26x512xf32, #tpu.memory_space<vmem>>, vector<16xf32>,
      %add3A_194 = arith.addf %add3A_187, %get3A_193 : vector<16xf32>
      %mul3A_195 = arith.constant 16 : i32
      %mul3A_196 = arith.muli %scan3A_35, %mul3A_195 : i32
      %get3A_197 = arith.constant 22 : i32
      %get3A_198 = arith.index_cast %get3A_197 : i32 to index
      %get3A_199 = arith.index_cast %mul3A_196 : i32 to index
      %get3A_200 = tpu.vector_load %arg8[%get3A_198, %get3A_199] {strides = array<i32>} : memref<26x512xf32, #tpu.memory_space<vmem>>, vector<16xf32>,
      %add3A_201 = arith.addf %add3A_194, %get3A_200 : vector<16xf32>
      %mul3A_202 = arith.constant 16 : i32
      %mul3A_203 = arith.muli %scan3A_35, %mul3A_202 : i32
      %get3A_204 = arith.constant 23 : i32
      %get3A_205 = arith.index_cast %get3A_204 : i32 to index
      %get3A_206 = arith.index_cast %mul3A_203 : i32 to index
      %get3A_207 = tpu.vector_load %arg8[%get3A_205, %get3A_206] {strides = array<i32>} : memref<26x512xf32, #tpu.memory_space<vmem>>, vector<16xf32>,
      %add3A_208 = arith.addf %add3A_201, %get3A_207 : vector<16xf32>
      %mul3A_209 = arith.constant 16 : i32
      %mul3A_210 = arith.muli %scan3A_35, %mul3A_209 : i32
      %get3A_211 = arith.constant 24 : i32
      %get3A_212 = arith.index_cast %get3A_211 : i32 to index
      %get3A_213 = arith.index_cast %mul3A_210 : i32 to index
      %get3A_214 = tpu.vector_load %arg8[%get3A_212, %get3A_213] {strides = array<i32>} : memref<26x512xf32, #tpu.memory_space<vmem>>, vector<16xf32>,
      %add3A_215 = arith.addf %add3A_208, %get3A_214 : vector<16xf32>
      %mul3A_216 = arith.constant 16 : i32
      %mul3A_217 = arith.muli %scan3A_35, %mul3A_216 : i32
      %get3A_218 = arith.constant 25 : i32
      %get3A_219 = arith.index_cast %get3A_218 : i32 to index
      %get3A_220 = arith.index_cast %mul3A_217 : i32 to index
      %get3A_221 = tpu.vector_load %arg8[%get3A_219, %get3A_220] {strides = array<i32>} : memref<26x512xf32, #tpu.memory_space<vmem>>, vector<16xf32>,
      %add3A_222 = arith.addf %add3A_215, %get3A_221 : vector<16xf32>
      %mul3A_223 = arith.constant 16 : i32
      %mul3A_224 = arith.muli %scan3A_35, %mul3A_223 : i32
      %swap3A = arith.index_cast %mul3A_224 : i32 to index
      %swap3A_225 = tpu.vector_load %arg9[%swap3A] {strides = array<i32>} : memref<512xf32, #tpu.memory_space<vmem>>, vector<16xf32>,
      tpu.vector_store %arg9[%swap3A], %add3A_222 {strides = array<i32>} : memref<512xf32, #tpu.memory_space<vmem>>, vector<16xf32>,
    }
    %scan3A_34 = arith.constant 32 : i32
    "tpu.region"() ({
      %run_scoped3A = tpu.sem_alloc : memref<!tpu.dma_semaphore, #tpu.memory_space<semaphore_mem>>
      %dma_start3A_35 = tpu.memref_slice %arg6[%mul3A_2] : memref<16384xf32, #tpu.memory_space<hbm>> -> memref<512xf32, #tpu.memory_space<hbm>>
      %dma_start3A_36 = tpu.memref_slice %arg6[%mul3A_2] : memref<16384xf32, #tpu.memory_space<hbm>> -> memref<512xf32, #tpu.memory_space<hbm>>
      tpu.enqueue_dma source(%arg9 : memref<512xf32, #tpu.memory_space<vmem>>) target(%dma_start3A_36 : memref<512xf32, #tpu.memory_space<hbm>>) target_semaphore(%run_scoped3A : memref<!tpu.dma_semaphore, #tpu.memory_space<semaphore_mem>>)
      %dma_wait3A_37 = tpu.memref_slice %arg6[%mul3A_2] : memref<16384xf32, #tpu.memory_space<hbm>> -> memref<512xf32, #tpu.memory_space<hbm>>
      %dma_wait3A_38 = tpu.memref_slice %arg6[%mul3A_2] : memref<16384xf32, #tpu.memory_space<hbm>> -> memref<512xf32, #tpu.memory_space<hbm>>
      tpu.wait_dma2 semaphore(%run_scoped3A : memref<!tpu.dma_semaphore, #tpu.memory_space<semaphore_mem>>) src(%arg9 : memref<512xf32, #tpu.memory_space<vmem>>) dst(%dma_wait3A_38 : memref<512xf32, #tpu.memory_space<hbm>>)
      tpu.yield
    }) : () -> ()
    return
  }
}

</mosaic_0001>

<sc_bundles>
// kernel: kernel.4.cloned.1.call-start
scs
__scs_entry_jumppad:
0x0: {  	(pc) =	sbr.rel $0x88, $3  }
0x1: {  	(tag) =	ssettag $0x0;
	lr =	simm.s32 $0x1  }
0x2: {  	[smem:$0x3F9D] =	sst lr;
	_ =	strace $0xD0000000  }
0x3: {  	_ = 	snop  }
0x4: {  	_ = 	snop  }
0x5: {  	_ = 	snop  }
0x6: {  	_ = 	snop  }
0x7: {  	_ = 	snop  }
__scs_overlays_trampoline_lowered:
0x8: {  	[smem:$0x3FAC] =	sst s0  }
0x9: {  	[smem:$0x3FAD] =	sst s1  }
0xa: {  	[smem:$0x3FAE] =	sst s2  }
0xb: {  	[smem:$0x3FAF] =	sst s3  }
0xc: {  	[smem:$0x3FB0] =	sst s4  }
0xd: {  	[smem:$0x3FB1] =	sst s5  }
0xe: {  	[smem:$0x3FB2] =	sst s6  }
0xf: {  	[smem:$0x3FB3] =	sst s7  }
0x10: {  	[smem:$0x3FB4] =	sst s8  }
0x11: {  	[smem:$0x3FB5] =	sst s9;
	s0 =	simm.s32 @!p0 $0x0  }
0x12: {  	s1 =	sld [smem:$0x3F9B];
	s0 =	simm.s32 @p0 $0x1  }
0x13: {  	[smem:$0x3FB6] =	sst s0;
	s0 =	simm.s32 @!p1 $0x0  }
0x14: {  	s2 =	sld [smem:$0x3F9A];
	s0 =	simm.s32 @p1 $0x1  }
0x15: {  	[smem:$0x3FB7] =	sst s0;
	s0 =	simm.s32 @!p2 $0x0  }
0x16: {  	s3 =	sld [smem:$0x3FDB];
	s0 =	simm.s32 @p2 $0x1  }
0x17: {  	s4 =	simm.s32 $0x1BF5;
	[smem:$0x3FB9] =	sst s0  }
0x18: {  	s0 =	sld [smem:$0x3F9C];
	_ =	swait.ge [sflag:s4], $0x0  }
0x19: {  	s7 =	sld [smem:$0x3F9D]  }
0x1a: {  	s8 =	sadd.s32 $0xFFFFE003, lr  }
0x1b: {  	s9 =	sadd.s32 $0xFFFFFEF7, lr;
	s5 =	simm.s32 $0xFFFFFFFF;
	p2 =	slt.u32 s8, $0xFFFFF086  }
0x1c: {  	p1 =	slt.u32 s9, $0xF7A;
	s5 =	simm.s32 @!p2 $0x0  }
0x1d: {  	s5 =	simm.s32 @p1 $0x1;
	p0 =	seq.s32 s7, s2  }
0x1e: {  	s7 =	smul.u32 @!p0 $0xF7A, s2;
	p2 =	seq.s32 @!p0 s5, $0x0  }
0x1f: {  	s9 =	smul.u32 $0xF7A, s1;
	s8 =	simm.s32 @!p0 $0x1BF5;
	p2 =	por !p2, p0  }
0x20: {  	[sflag:s8] =	ssyncset.s32 @!p0 $0xFFFFF086;
	s6 =	sadd.s32 @!p0 s3, s7;
	s7 =	simm.s32 @!p0 $0x108  }
0x21: {  	s3 =	sadd.s32 s3, s9;
	s6 =	sadd.s32 @!p0 $0x88, s6;
	s7 =	simm.s32 @p2 $0x1082  }
0x22: {  	[simem:s7], [sflag:s8] =	dma.local @!p0 [hbm:s6], $0xF7A  }
0x23: {  	s9 =	sor.u32 $0xD0000000, s2;
	s6 =	simm.s32 $0x108;
	_ =	swait.ge @!p0 [sflag:s8], $0x0  }
0x24: {  	s3 =	sadd.s32 $0x88, s3;
	s6 =	simm.s32 @!p1 $0x1082;
	[sflag:s4] =	ssyncset.s32 $0xFFFFF086  }
0x25: {  	[simem:s6], [sflag:s4] =	dma.local [hbm:s3], $0xF7A  }
0x26: {  	[smem:$0x3F9D] =	sst s1;
	(tag) =	ssettag s2;
	_ =	strace s9  }
0x27: {  	s1 =	sld [smem:$0x3FAD]  }
0x28: {  	s2 =	sld [smem:$0x3FAE]  }
0x29: {  	s4 =	sld [smem:$0x3FB0]  }
0x2a: {  	p0 =	seq.s32 s5, $0x0;
	s5 =	sld [smem:$0x3FB1]  }
0x2b: {  	s6 =	sld [smem:$0x3FB2]  }
0x2c: {  	s7 =	sld [smem:$0x3FB3]  }
0x2d: {  	s3 =	simm.s32 $0x108;
	s8 =	sld [smem:$0x3FB4]  }
0x2e: {  	s3 =	simm.s32 @!p0 $0x1082;
	s9 =	sld [smem:$0x3FB5]  }
0x2f: {  	lr =	sadd.s32 s0, s3;
	s0 =	sld [smem:$0x3FAC]  }
0x30: {  	s3 =	sld [smem:$0x3FAF]  }
0x31: {  	[smem:$0x3FB8] =	sst s10  }
0x32: {  	s10 =	sld [smem:$0x3FB6];
	_ =	sdelay $0x3  }
0x33: {  	p0 =	seq.s32 s10, $0x1;
	s10 =	sld [smem:$0x3FB8];
	_ =	sdelay $0x3  }
0x34: {  	[smem:$0x3FB8] =	sst s10  }
0x35: {  	s10 =	sld [smem:$0x3FB7];
	_ =	sdelay $0x3  }
0x36: {  	p1 =	seq.s32 s10, $0x1;
	s10 =	sld [smem:$0x3FB8];
	_ =	sdelay $0x3  }
0x37: {  	[smem:$0x3FB8] =	sst s10  }
0x38: {  	s10 =	sld [smem:$0x3FB9]  }
0x39: {  	_ = 	snop;
	(pc) =	sbr.ind lr, $3  }
0x3a: {  	_ = 	snop  }
0x3b: {  	_ = 	snop  }
0x3c: {  	p2 =	seq.s32 s10, $0x1;
	s10 =	sld [smem:$0x3FB8]  }
0x3d: {  	_ =	shalt  }
0x3e: {  	_ =	shalt  }
0x3f: {  	_ =	shalt  }
0x40: {  	_ =	shalt  }
0x41: {  	_ =	shalt  }
0x42: {  	_ =	shalt  }
0x43: {  	_ =	shalt  }
0x44: {  	_ =	shalt  }
0x45: {  	_ =	shalt  }
0x46: {  	_ =	shalt  }
0x47: {  	_ =	shalt  }
0x48: {  	_ =	shalt  }
0x49: {  	_ =	shalt  }
0x4a: {  	_ =	shalt  }
0x4b: {  	_ =	shalt  }
0x4c: {  	_ =	shalt  }
0x4d: {  	_ =	shalt  }
0x4e: {  	_ =	shalt  }
0x4f: {  	_ =	shalt  }
0x50: {  	_ =	shalt  }
0x51: {  	_ =	shalt  }
0x52: {  	_ =	shalt  }
0x53: {  	_ =	shalt  }
0x54: {  	_ =	shalt  }
0x55: {  	_ =	shalt  }
0x56: {  	_ =	shalt  }
0x57: {  	_ =	shalt  }
0x58: {  	_ =	shalt  }
0x59: {  	_ =	shalt  }
0x5a: {  	_ =	shalt  }
0x5b: {  	_ =	shalt  }
0x5c: {  	_ =	shalt  }
0x5d: {  	_ =	shalt  }
0x5e: {  	_ =	shalt  }
0x5f: {  	_ =	shalt  }
0x60: {  	_ =	shalt  }
0x61: {  	_ =	shalt  }
0x62: {  	_ =	shalt  }
0x63: {  	_ =	shalt  }
0x64: {  	_ =	shalt  }
0x65: {  	_ =	shalt  }
0x66: {  	_ =	shalt  }
0x67: {  	_ =	shalt  }
0x68: {  	_ =	shalt  }
0x69: {  	_ =	shalt  }
0x6a: {  	_ =	shalt  }
0x6b: {  	_ =	shalt  }
0x6c: {  	_ =	shalt  }
0x6d: {  	_ =	shalt  }
0x6e: {  	_ =	shalt  }
0x6f: {  	_ =	shalt  }
0x70: {  	_ =	shalt  }
0x71: {  	_ =	shalt  }
0x72: {  	_ =	shalt  }
0x73: {  	_ =	shalt  }
0x74: {  	_ =	shalt  }
0x75: {  	_ =	shalt  }
0x76: {  	_ =	shalt  }
0x77: {  	_ =	shalt  }
0x78: {  	_ =	shalt  }
0x79: {  	_ =	shalt  }
0x7a: {  	_ =	shalt  }
0x7b: {  	_ =	shalt  }
0x7c: {  	_ =	shalt  }
0x7d: {  	_ =	shalt  }
0x7e: {  	_ =	shalt  }
0x7f: {  	_ =	shalt  }
0x80: {  	_ =	shalt  }
0x81: {  	_ =	shalt  }
0x82: {  	_ =	shalt  }
0x83: {  	_ =	shalt  }
0x84: {  	_ =	shalt  }
0x85: {  	_ =	shalt  }
0x86: {  	_ =	shalt  }
0x87: {  	_ =	shalt  }
.Lfunc_end0:
.L_simem_size_0:
called_computation_lowered:
.L_overlay_start_0:
0x88: {  	s2 =	sld [smem:$0x3FD9]  }
0x89: {  	s3 =	sld [smem:$0x3FFE];
	_ =	sdelay $0x1  }
0x8a: {  	s1 =	srdreg.scid  }
0x8b: {  	s0 =	sand.u32 $0x1, s1  }
0x8c: {  	s17 =	sshll.u32 s0, $0xA;
	s2 =	sadd.s32 s3, s2  }
0x8d: {  	s2 =	sadd.s32 s2, s17  }
0x8e: {  	[smem:$0x3FC4] =	sst s2  }
0x8f: {  	_ = 	snop  }
0x90: {  	s2 =	sld [smem:$0x3FC9]  }
0x91: {  	s18 =	sld [smem:$0x3FC8];
	(tm) =	ssettm $0x1  }
0x92: {  	s4 =	sld [smem:$0x3FFB];
	_ =	sdelay $0x3  }
0x93: {  	_ =	strace s4  }
0x94: {  	s4 =	sld [smem:$0x3FFC];
	_ =	sdelay $0x3  }
0x95: {  	_ =	strace s4  }
0x96: {  	s4 =	sld [smem:$0x3FFD];
	_ =	sdelay $0x3  }
0x97: {  	_ =	strace s4  }
0x98: {  	_ =	strace $0x8FFFFFFF  }
0x99: {  	s19 =	sld [smem:$0x3FDB];
	_ =	sdelay $0x1  }
0x9a: {  	s5 =	simm.s32 $_scs_section_size  }
0x9b: {  	s6 =	simm.s32 $_size__tile_overlayer_lowered;
	s7 =	simm.s32 $_tile_overlayer_lowered  }
0x9c: {  	s22 =	simm.s32 $0x1BFF;
	s21 =	sshll.u32 s7, $0x1;
	s4 =	sadd.s32 s5, s19  }
0x9d: {  	s8 =	simm.s32 $0x0;
	s20 =	sshll.u32 s6, $0x1;
	s6 =	sadd.s32 s21, s4  }
0x9e: {  	[timem:s8], [sflag:s22] =	dma.local [hbm:s6], s20  }
0x9f: {  	_ =	swait.ge [sflag:s22], s20  }
0xa0: {  	s5 =	ssub.s32 $0x0, s20;
	[sflag:s22] =	ssyncset.done $0x0  }
0xa1: {  	[sflag:s22] =	ssyncadd.s32 s5;
	_ =	sdelay $0x1  }
0xa2: {  	s23 =	simm.s32 $0x1B8B  }
0xa3: {  	_ =	swait.ge [sflag:s23], $0x1  }
0xa4: {  	[sflag:s23] =	ssyncset.done $0x0  }
0xa5: {  	s25 =	simm.s32 $0x1B8E;
	s24 =	sld [smem:$0x3FFE];
	[sflag:s23] =	ssyncadd.s32 $0xFFFFFFFF  }
0xa6: {  	s26 =	simm.s32 $execute0_lowered;
	[smem:$0x3FD2] =	sst s25  }
0xa7: {  	s6 =	sshll.u32 s26, $0x1;
	_ =	strace $0x80000046;
	[dreg:$0x1] =	wrdreg $0xFFFFFFFF  }
0xa8: {  	s28 =	simm.s32 $_size_execute0_lowered;
	s4 =	sadd.s32 s4, s6;
	[dreg:$0x0] =	wrdreg $0x0  }
0xa9: {  	s6 =	sshll.u32 s28, $0x1;
	[dreg:$0x2] =	wrdreg s4  }
0xaa: {  	[dreg:$0x3] =	wrdreg s6  }
0xab: {  	[dreg:$0x4] =	wrdreg $0xC0  }
0xac: {  	_ =	task [dreg:s8], $0x5FFFF  }
0xad: {  	[dreg:$0x1] =	wrdreg $0xFFFFFFFF  }
0xae: {  	[dreg:$0x0] =	wrdreg $0x60  }
0xaf: {  	[dreg:$0x2] =	wrdreg s18  }
0xb0: {  	[dreg:$0x3] =	wrdreg s2  }
0xb1: {  	[dreg:$0x4] =	wrdreg s24  }
0xb2: {  	[dreg:$0x5] =	wrdreg $0x9  }
0xb3: {  	_ =	task.clear_ibuf [dreg:s8], $0x6FFFF;
	_ =	strace $0x90000046  }
0xb4: {  	s29 =	simm.s32 $0x9;
	_ =	strace $0x80000048  }
0xb5: {  	_ =	swait.ge [sflag:s29], $0x1  }
0xb6: {  	[sflag:s29] =	ssyncadd.s32 $0xFFFFFFFF  }
0xb7: {  	_ =	strace $0x90000048  }
0xb8: {  	_ =	sfence  }
0xb9: {  	s30 =	sld [smem:$0x0];
	_ =	sdelay $0x2  }
0xba: {  	s31 =	sshll.u32 s1, $0xD;
	s1 =	sshrl.u32 s1, $0x2  }
0xbb: {  	s3 =	sand.u32 $0x4000, s31;
	s1 =	sadd.s32 s1, s30  }
0xbc: {  	s0 =	sor.u32 s3, s0;
	s1 =	sshll.u32 s1, $0x11  }
0xbd: {  	s0 =	sor.u32 s1, s0  }
0xbe: {  	s0 =	sadd.s32 $0x8F2B, s0  }
0xbf: {  	[sflag:s0] =	ssyncadd.remote.s32 $0x1  }
0xc0: {  	_ =	sfence.sel $0xFFFF  }
0xc1: {  	[dreg:$0x0] =	wrdreg $0xFFFFFFFF;
	(pc) =	sbr.abs _section_cstart, $3  }
0xc2: {  	[dreg:$0x1] =	wrdreg $0xFFFFFFFF  }
0xc3: {  	_ =	task.clear_ibuf [dreg:s8], $0x2FFFF;
	_ =	strace $0x9FFFFFFF  }
0xc4: {  	(tm) =	ssettm $0x7FFFFFFF  }
0xc5: {  	_ =	shalt  }
tec
execute0_lowered:
.L_overlay_start_1:
0x0: {  	(tag) =	ssettag $0x1  }
0x1: {  	s5 =	rddreg [dreg:$0x0]  }
0x2: {  	s3 =	rddreg [dreg:$0x1]  }
0x3: {  	s4 =	rddreg [dreg:$0x2];
	s2 =	srdreg.scid  }
0x4: {  	s0 =	rddreg [dreg:$0x3];
	s1 =	stileid.u32;
	s10 =	simm.s32 $0x1A200  }
0x5: {  	s11 =	simm.s32 $0x2;
	s12 =	simm.s32 $0x1;
	s13 =	simm.s32 $0x1A000  }
0x6: {  	s14 =	simm.s32 $0x0;
	s6 =	sand.u32 $0x1, s2;
	s2 =	simm.s32 $0x0  }
0x7: {  	s7 =	sshll.u32 s1, $0xA;
	s8 =	sshll.u32 s6, $0x9;
	s6 =	ssub.s32 $0x2, s6  }
0x8: {  	[smem:$0x7FF] =	sst s2;
	s7 =	sor.u32 s8, s7;
	s9 =	sshrl.u32 s6, $0x1  }
0x9: {  	_ =	strace $0x80000047;
	s8 =	sshrl.u32 s7, $0x3;
	s9 =	ssub.s32 s6, s9  }
0xa: {  	s3 =	sadd.s32 s3, s7;
	s5 =	sadd.s32 s5, s7;
	s8 =	sadd.s32 s8, s4  }
0xb: {  	s4 =	sadd.s32 s7, s4;
	s7 =	smax.u32 s9, $0x1;
	s9 =	simm.s32 $0x20000  }
0xc: {  	s4 =	sadd.s32 $0xA00, s4;
	s6 =	sadd.s32 $0x10A00, s8;
	s8 =	simm.s32 $0x1000  }
.LBB2_1:
0xd: {  	[tilespmem:s10], [sflag:$0x2] =	stream.strided.gather [hbm4b:s3+s8], $0x4000, s9, s8, $0x38;
	[tilespmem:$0x1E200] =	vst v63  }
0xe: {  	_ =	swait.ge [sflag:s11], $0x4000  }
0xf: {  	[sflag:s11] =	ssyncset.done $0x0  }
0x10: {  	[sflag:s11] =	ssyncadd.s32 $0xFFFFC000  }
0x11: {  	[hbm4b:s4+s8] =	stream.strided.scatter [tilespmem:s10], [sflag:$0x2], $0x4000, s9, s8, $0x38;
	[tilespmem:$0x1E200] =	vst v63  }
0x12: {  	_ =	swait.ge [sflag:s11], $0x4000  }
0x13: {  	[sflag:s11] =	ssyncset.done $0x0  }
0x14: {  	s15 =	simm.s32 $0x0;
	s17 =	smov.u32 s5;
	[sflag:s11] =	ssyncadd.s32 $0xFFFFC000  }
.LBB2_2:
0x15: {  	p0 =	seq.s32 s15, $0x66000  }
.Ltmp0:
0x16: {  	_ = 	snop;
	(pc) =	sbr.rel @!p0 .LBB2_2-.Ltmp0, $4  }
0x17: {  	_ = 	snop  }
0x18: {  	s18 =	sshra.s32 s15, $0x2;
	s16 =	simm.s32 $0x0  }
0x19: {  	[tilespmem:s18], [sflag:$0x1] =	stream.linear.gather [hbm4b:s17+s16], $0x400, $0x38;
	[tilespmem:$0x1E200] =	vst v63  }
0x1a: {  	s15 =	sadd.s32 $0x2000, s15;
	s17 =	sadd.s32 $0x4000, s17  }
0x1b: {  	p0 =	por $0x1, $0x1;
	p1 =	por $0x0, $0x0  }
.LBB2_5:
0x1c: {  	p2 =	seq.s32 s16, $0x3  }
.Ltmp1:
0x1d: {  	_ = 	snop;
	(pc) =	sbr.rel @p2 .LBB2_8-.Ltmp1, $4  }
0x1e: {  	_ = 	snop  }
0x1f: {  	_ =	swait.ge [sflag:s12], $0xD000  }
0x20: {  	[sflag:s12] =	ssyncset.done $0x0  }
0x21: {  	s15 =	sadd.s32 $0x1, s16;
	[sflag:s12] =	ssyncadd.s32 $0xFFFF3000  }
0x22: {  	s17 =	simm.s32 $0x1  }
0x23: {  	s17 =	simm.s32 @!p0 $0x0  }
0x24: {  	s18 =	sshll.u32 s15, $0x7;
	s17 =	sshll.u32 s17, $0xA  }
0x25: {  	s18 =	sadd.s32 s18, s5;
	s19 =	sadd.s32 $0x0, s17  }
0x26: {  	[tilespmem:s19], [sflag:$0x1] =	stream.linear.gather [hbm4b:s18+s2], $0x400, $0x38;
	[tilespmem:$0x1E200] =	vst v63  }
0x27: {  	s19 =	simm.s32 $0x2000  }
.LBB2_7:
0x28: {  	p2 =	sne.s32 s19, $0x66000  }
.Ltmp2:
0x29: {  	_ = 	snop;
	(pc) =	sbr.rel @p2 .LBB2_7-.Ltmp2, $4  }
0x2a: {  	_ = 	snop  }
0x2b: {  	s20 =	sshra.s32 s19, $0x2;
	s19 =	sadd.s32 $0x2000, s19  }
0x2c: {  	s18 =	sadd.s32 $0x4000, s18;
	s20 =	sadd.s32 s20, s17  }
0x2d: {  	[tilespmem:s20], [sflag:$0x1] =	stream.linear.gather [hbm4b:s18+s2], $0x400, $0x38;
	[tilespmem:$0x1E200] =	vst v63  }
.LBB2_8:
0x2e: {  	s16 =	sshll.u32 s16, $0x7  }
0x2f: {  	s17 =	simm.s32 $0x1;
	s16 =	sand.u32 $0x3FFFFF80, s16  }
0x30: {  	s17 =	simm.s32 @!p1 $0x0;
	s18 =	sadd.s32 $0x1A000, s16  }
0x31: {  	s16 =	sshll.u32 s17, $0xA;
	s17 =	simm.s32 $0x0;
	v0 =	vmov s18  }
.LBB2_9:
0x32: {  	v2 =	vmov s16;
	_ =	sdelay $0x3  }
0x33: {  	s18 =	simm.s32 $0xB80  }
0x34: {  	v3 =	vld.idx.msk [tilespmem:v2+s18+$0xFFFFF480 ss:$0x1], $0xffff;
	_ =	sdelay $0x1  }
0x35: {  	v4 =	vld.idx.msk [tilespmem:v2+s18+$0xFFFFF500 ss:$0x1], $0xffff;
	_ =	sdelay $0x1  }
0x36: {  	v5 =	vld.idx.msk [tilespmem:v2+s18+$0xFFFFF580 ss:$0x1], $0xffff  }
0x37: {  	v6 =	vmul.f32 v3, v3  }
0x38: {  	v1 =	vimm.f32 $0.0e+00;
	v7 =	vld.idx.msk [tilespmem:v2+s18+$0xFFFFF600 ss:$0x1], $0xffff  }
0x39: {  	v8 =	vmul.f32 v4, v4;
	v6 =	vadd.f32 v6, v1  }
0x3a: {  	v9 =	vld.idx.msk [tilespmem:v2+s18+$0xFFFFF680 ss:$0x1], $0xffff  }
0x3b: {  	v6 =	vadd.f32 v8, v6;
	v8 =	vmul.f32 v5, v5  }
0x3c: {  	v10 =	vld.idx.msk [tilespmem:v2+s18+$0xFFFFF700 ss:$0x1], $0xffff  }
0x3d: {  	v6 =	vadd.f32 v8, v6;
	v8 =	vmul.f32 v7, v7  }
0x3e: {  	v12 =	vld.idx.msk [tilespmem:v2+s18+$0xFFFFF780 ss:$0x1], $0xffff  }
0x3f: {  	v6 =	vadd.f32 v8, v6;
	v8 =	vmul.f32 v9, v9  }
0x40: {  	v18 =	vld.idx.msk [tilespmem:v2+s18+$0xFFFFF800 ss:$0x1], $0xffff  }
0x41: {  	v6 =	vadd.f32 v8, v6;
	v8 =	vmul.f32 v10, v10  }
0x42: {  	v19 =	vld.idx.msk [tilespmem:v2+s18+$0xFFFFFC80 ss:$0x1], $0xffff  }
0x43: {  	v6 =	vadd.f32 v8, v6;
	v8 =	vmul.f32 v12, v12  }
0x44: {  	v20 =	vld.idx.msk [tilespmem:v2+s18+$0xFFFFFD00 ss:$0x1], $0xffff  }
0x45: {  	v6 =	vadd.f32 v8, v6;
	v8 =	vmul.f32 v18, v18  }
0x46: {  	v21 =	vld.idx.msk [tilespmem:v2+s18+$0xFFFFFD80 ss:$0x1], $0xffff  }
0x47: {  	v6 =	vadd.f32 v8, v6;
	v8 =	vmul.f32 v19, v19  }
0x48: {  	v17 =	vadd.f32 v3, v1;
	v16 =	vadd.f32 v4, v1;
	v3 =	vld.idx.msk [tilespmem:v2+s18+$0xFFFFFE00 ss:$0x1], $0xffff  }
0x49: {  	v14 =	vadd.f32 v5, v1;
	v5 =	vmul.f32 v20, v20;
	v4 =	vadd.f32 v8, v6  }
0x4a: {  	v15 =	vadd.f32 v7, v1;
	v13 =	vadd.f32 v9, v1;
	v6 =	vld.idx.msk [tilespmem:v2+s18+$0xFFFFFE80 ss:$0x1], $0xffff  }
0x4b: {  	v11 =	vadd.f32 v10, v1;
	v4 =	vadd.f32 v5, v4;
	v5 =	vmul.f32 v21, v21  }
0x4c: {  	v7 =	vadd.f32 v21, v1;
	v9 =	vadd.f32 v20, v1;
	v20 =	vld.idx.msk [tilespmem:v2+s18+$0xFFFFFF00 ss:$0x1], $0xffff  }
0x4d: {  	v8 =	vadd.f32 v19, v1;
	v19 =	vmul.f32 v3, v3;
	v5 =	vadd.f32 v5, v4  }
0x4e: {  	v10 =	vadd.f32 v18, v1;
	v12 =	vadd.f32 v12, v1;
	v18 =	vld.idx.msk [tilespmem:v2+s18+$0xFFFFFF80 ss:$0x1], $0xffff  }
0x4f: {  	v4 =	vadd.f32 v3, v1;
	v22 =	vmul.f32 v6, v6;
	v21 =	vadd.f32 v19, v5  }
0x50: {  	s19 =	simm.s32 $0xAE00;
	v3 =	vimm.f32 $0.0e+00;
	v5 =	vadd.f32 v6, v1;
	v19 =	vld.idx.msk [tilespmem:v2+s18+$0x0 ss:$0x1], $0xffff;
	s18 =	simm.s32 $0x1B80;
	v6 =	vimm.f32 $0.0e+00  }
.LBB2_10:
0x51: {  	p2 =	sne.s32 s19, $0x66E00;
	v23 =	vld.idx.msk [tilespmem:v2+s18+$0xFFFFF480 ss:$0x1], $0xffff;
	v21 =	vadd.f32 v22, v21;
	v22 =	vmul.f32 v20, v20;
	v1 =	vadd.f32 v20, v1;
	_ =	sdelay $0x1  }
0x52: {  	v6 =	vadd.f32 v18, v6;
	v20 =	vld.idx.msk [tilespmem:v2+s18+$0xFFFFF500 ss:$0x1], $0xffff;
	v21 =	vadd.f32 v22, v21;
	v22 =	vmul.f32 v18, v18;
	_ =	sdelay $0x1  }
0x53: {  	v3 =	vadd.f32 v19, v3;
	v18 =	vld.idx.msk [tilespmem:v2+s18+$0xFFFFF580 ss:$0x1], $0xffff;
	v21 =	vadd.f32 v22, v21;
	v22 =	vmul.f32 v19, v19;
	_ =	sdelay $0x1  }
0x54: {  	v19 =	vmul.f32 v23, v23;
	v17 =	vadd.f32 v23, v17;
	v23 =	vld.idx.msk [tilespmem:v2+s18+$0xFFFFF600 ss:$0x1], $0xffff;
	v21 =	vadd.f32 v22, v21;
	_ =	sdelay $0x1  }
0x55: {  	v16 =	vadd.f32 v20, v16;
	v19 =	vadd.f32 v19, v21;
	v21 =	vmul.f32 v20, v20;
	v20 =	vld.idx.msk [tilespmem:v2+s18+$0xFFFFF680 ss:$0x1], $0xffff;
	_ =	sdelay $0x1  }
0x56: {  	v14 =	vadd.f32 v18, v14;
	v19 =	vadd.f32 v21, v19;
	v21 =	vmul.f32 v18, v18;
	v18 =	vld.idx.msk [tilespmem:v2+s18+$0xFFFFF700 ss:$0x1], $0xffff;
	_ =	sdelay $0x1  }
0x57: {  	v15 =	vadd.f32 v23, v15;
	v19 =	vadd.f32 v21, v19;
	v21 =	vmul.f32 v23, v23;
	v22 =	vld.idx.msk [tilespmem:v2+s18+$0xFFFFF780 ss:$0x1], $0xffff;
	_ =	sdelay $0x1  }
0x58: {  	v13 =	vadd.f32 v20, v13;
	v19 =	vadd.f32 v21, v19;
	v21 =	vmul.f32 v20, v20;
	v20 =	vld.idx.msk [tilespmem:v2+s18+$0xFFFFF800 ss:$0x1], $0xffff;
	_ =	sdelay $0x1  }
0x59: {  	v11 =	vadd.f32 v18, v11;
	v19 =	vadd.f32 v21, v19;
	v21 =	vmul.f32 v18, v18;
	v18 =	vld.idx.msk [tilespmem:v2+s18+$0xFFFFFC80 ss:$0x1], $0xffff;
	_ =	sdelay $0x1  }
0x5a: {  	v12 =	vadd.f32 v22, v12;
	v19 =	vadd.f32 v21, v19;
	v21 =	vmul.f32 v22, v22;
	v22 =	vld.idx.msk [tilespmem:v2+s18+$0xFFFFFD00 ss:$0x1], $0xffff;
	_ =	sdelay $0x1  }
0x5b: {  	v10 =	vadd.f32 v20, v10;
	v19 =	vadd.f32 v21, v19;
	v21 =	vmul.f32 v20, v20;
	v20 =	vld.idx.msk [tilespmem:v2+s18+$0xFFFFFD80 ss:$0x1], $0xffff;
	_ =	sdelay $0x1  }
0x5c: {  	v8 =	vadd.f32 v18, v8;
	v19 =	vadd.f32 v21, v19;
	v21 =	vmul.f32 v18, v18;
	v18 =	vld.idx.msk [tilespmem:v2+s18+$0xFFFFFE00 ss:$0x1], $0xffff;
	_ =	sdelay $0x1  }
0x5d: {  	v9 =	vadd.f32 v22, v9;
	v19 =	vadd.f32 v21, v19;
	v21 =	vmul.f32 v22, v22;
	v23 =	vld.idx.msk [tilespmem:v2+s18+$0xFFFFFE80 ss:$0x1], $0xffff;
	_ =	sdelay $0x1  }
0x5e: {  	v7 =	vadd.f32 v20, v7;
	v19 =	vadd.f32 v21, v19;
	v21 =	vmul.f32 v20, v20;
	v20 =	vld.idx.msk [tilespmem:v2+s18+$0xFFFFFF00 ss:$0x1], $0xffff  }
.Ltmp3:
0x5f: {  	(pc) =	sbr.rel @p2 .LBB2_10-.Ltmp3, $3  }
0x60: {  	v4 =	vadd.f32 v18, v4;
	v19 =	vadd.f32 v21, v19;
	v21 =	vmul.f32 v18, v18;
	v18 =	vld.idx.msk [tilespmem:v2+s18+$0xFFFFFF80 ss:$0x1], $0xffff;
	_ =	sdelay $0x1  }
0x61: {  	v22 =	vmul.f32 v23, v23;
	v5 =	vadd.f32 v23, v5;
	v21 =	vadd.f32 v21, v19;
	v19 =	vld.idx.msk [tilespmem:v2+s18+$0x0 ss:$0x1], $0xffff  }
0x62: {  	s18 =	sshra.s32 s19, $0x2;
	s19 =	sadd.s32 $0x4000, s19  }
0x63: {  	_ =	sdelay $0x2  }
0x64: {  	v21 =	vadd.f32 v22, v21;
	v45 =	vmul.f32 v20, v20  }
0x65: {  	v23 =	vld.idx.msk [tilespmem:v2+s18+$0xFFFFF480 ss:$0x1], $0xffff  }
0x66: {  	v46 =	vmul.f32 v18, v18;
	v21 =	vadd.f32 v45, v21  }
0x67: {  	v24 =	vld.idx.msk [tilespmem:v2+s18+$0xFFFFF500 ss:$0x1], $0xffff  }
0x68: {  	v47 =	vmul.f32 v19, v19;
	v21 =	vadd.f32 v46, v21  }
0x69: {  	v25 =	vld.idx.msk [tilespmem:v2+s18+$0xFFFFF580 ss:$0x1], $0xffff  }
0x6a: {  	v26 =	vmul.f32 v23, v23;
	v21 =	vadd.f32 v47, v21  }
0x6b: {  	v48 =	vld.idx.msk [tilespmem:v2+s18+$0xFFFFF600 ss:$0x1], $0xffff  }
0x6c: {  	v49 =	vmul.f32 v24, v24;
	v21 =	vadd.f32 v26, v21  }
0x6d: {  	v27 =	vld.idx.msk [tilespmem:v2+s18+$0xFFFFF680 ss:$0x1], $0xffff  }
0x6e: {  	v50 =	vmul.f32 v25, v25;
	v21 =	vadd.f32 v49, v21  }
0x6f: {  	v28 =	vld.idx.msk [tilespmem:v2+s18+$0xFFFFF700 ss:$0x1], $0xffff  }
0x70: {  	v51 =	vmul.f32 v48, v48;
	v21 =	vadd.f32 v50, v21  }
0x71: {  	v29 =	vld.idx.msk [tilespmem:v2+s18+$0xFFFFF780 ss:$0x1], $0xffff  }
0x72: {  	v52 =	vmul.f32 v27, v27;
	v21 =	vadd.f32 v51, v21  }
0x73: {  	v30 =	vld.idx.msk [tilespmem:v2+s18+$0xFFFFF800 ss:$0x1], $0xffff  }
0x74: {  	v53 =	vmul.f32 v28, v28;
	v21 =	vadd.f32 v52, v21  }
0x75: {  	v31 =	vld.idx.msk [tilespmem:v2+s18+$0xFFFFFC80 ss:$0x1], $0xffff  }
0x76: {  	v54 =	vmul.f32 v29, v29;
	v21 =	vadd.f32 v53, v21  }
0x77: {  	v32 =	vld.idx.msk [tilespmem:v2+s18+$0xFFFFFD00 ss:$0x1], $0xffff  }
0x78: {  	v55 =	vmul.f32 v30, v30;
	v21 =	vadd.f32 v54, v21  }
0x79: {  	v33 =	vld.idx.msk [tilespmem:v2+s18+$0xFFFFFD80 ss:$0x1], $0xffff  }
0x7a: {  	v56 =	vmul.f32 v31, v31;
	v21 =	vadd.f32 v55, v21  }
0x7b: {  	v34 =	vld.idx.msk [tilespmem:v2+s18+$0xFFFFFE00 ss:$0x1], $0xffff  }
0x7c: {  	v57 =	vmul.f32 v32, v32;
	v21 =	vadd.f32 v56, v21  }
0x7d: {  	v35 =	vld.idx.msk [tilespmem:v2+s18+$0xFFFFFE80 ss:$0x1], $0xffff  }
0x7e: {  	v58 =	vmul.f32 v33, v33;
	v21 =	vadd.f32 v57, v21  }
0x7f: {  	v36 =	vld.idx.msk [tilespmem:v2+s18+$0xFFFFFF00 ss:$0x1], $0xffff  }
0x80: {  	v59 =	vmul.f32 v34, v34;
	v21 =	vadd.f32 v58, v21  }
0x81: {  	v37 =	vld.idx.msk [tilespmem:v2+s18+$0xFFFFFF80 ss:$0x1], $0xffff  }
0x82: {  	v60 =	vmul.f32 v35, v35;
	v21 =	vadd.f32 v59, v21  }
0x83: {  	v2 =	vld.idx.msk [tilespmem:v2+s18+$0x0 ss:$0x1], $0xffff  }
0x84: {  	v61 =	vmul.f32 v36, v36;
	v21 =	vadd.f32 v60, v21;
	_ =	sdelay $0x1  }
0x85: {  	v62 =	vmul.f32 v37, v37;
	v21 =	vadd.f32 v61, v21;
	_ =	sdelay $0x1  }
0x86: {  	v63 =	vmul.f32 v2, v2;
	v21 =	vadd.f32 v62, v21;
	_ =	sdelay $0x1  }
0x87: {  	v17 =	vadd.f32 v23, v17;
	v21 =	vadd.f32 v63, v21;
	_ =	sdelay $0x1  }
0x88: {  	v16 =	vadd.f32 v24, v16;
	v17 =	vmul.f32 v17, v17;
	v21 =	vsub.f32 $0.0e+00, v21;
	_ =	sdelay $0x1  }
0x89: {  	v14 =	vadd.f32 v25, v14;
	v16 =	vmul.f32 v16, v16;
	v17 =	vadd.f32 v17, v21;
	_ =	sdelay $0x1  }
0x8a: {  	v15 =	vadd.f32 v48, v15;
	v14 =	vmul.f32 v14, v14;
	v16 =	vadd.f32 v16, v17;
	_ =	sdelay $0x1  }
0x8b: {  	v13 =	vadd.f32 v27, v13;
	v15 =	vmul.f32 v15, v15;
	v14 =	vadd.f32 v14, v16;
	_ =	sdelay $0x1  }
0x8c: {  	v11 =	vadd.f32 v28, v11;
	v13 =	vmul.f32 v13, v13;
	v14 =	vadd.f32 v15, v14;
	_ =	sdelay $0x1  }
0x8d: {  	v12 =	vadd.f32 v29, v12;
	v11 =	vmul.f32 v11, v11;
	v13 =	vadd.f32 v13, v14;
	_ =	sdelay $0x1  }
0x8e: {  	v10 =	vadd.f32 v30, v10;
	v12 =	vmul.f32 v12, v12;
	v11 =	vadd.f32 v11, v13;
	_ =	sdelay $0x1  }
0x8f: {  	v8 =	vadd.f32 v31, v8;
	v10 =	vmul.f32 v10, v10;
	v11 =	vadd.f32 v12, v11;
	_ =	sdelay $0x1  }
0x90: {  	v9 =	vadd.f32 v32, v9;
	v8 =	vmul.f32 v8, v8;
	v10 =	vadd.f32 v10, v11;
	_ =	sdelay $0x1  }
0x91: {  	v7 =	vadd.f32 v33, v7;
	v9 =	vmul.f32 v9, v9;
	v8 =	vadd.f32 v8, v10;
	_ =	sdelay $0x1  }
0x92: {  	v4 =	vadd.f32 v34, v4;
	v7 =	vmul.f32 v7, v7;
	v8 =	vadd.f32 v9, v8  }
0x93: {  	v1 =	vadd.f32 v20, v1  }
0x94: {  	v5 =	vadd.f32 v35, v5;
	v4 =	vmul.f32 v4, v4;
	v7 =	vadd.f32 v7, v8  }
0x95: {  	v6 =	vadd.f32 v18, v6  }
0x96: {  	v1 =	vadd.f32 v36, v1;
	v5 =	vmul.f32 v5, v5;
	v4 =	vadd.f32 v4, v7  }
0x97: {  	v3 =	vadd.f32 v19, v3  }
0x98: {  	v6 =	vadd.f32 v37, v6;
	v1 =	vmul.f32 v1, v1;
	v4 =	vadd.f32 v5, v4;
	_ =	sdelay $0x1  }
0x99: {  	v2 =	vadd.f32 v2, v3;
	v3 =	vmul.f32 v6, v6;
	v1 =	vadd.f32 v1, v4;
	_ =	sdelay $0x1  }
0x9a: {  	s31 =	sshll.u32 s17, $0x4;
	s17 =	sadd.s32 $0x1, s17;
	v2 =	vmul.f32 v2, v2;
	v1 =	vadd.f32 v3, v1  }
0x9b: {  	p2 =	seq.s32 s17, $0x8  }
.Ltmp4:
0x9c: {  	v1 =	vadd.f32 v2, v1;
	(pc) =	sbr.rel @!p2 .LBB2_9-.Ltmp4, $4  }
0x9d: {  	_ = 	snop  }
0x9e: {  	v1 =	vmul.f32 $5.000000000e-01, v1  }
0x9f: {  	s18 =	sand.u32 $0x3FFFFFF0, s31  }
0xa0: {  	s16 =	sadd.s32 $0x10, s16;
	[tilespmem:v0+s18+$0x0 ss:$0x1] =	vst.idx.msk $0xffff, v1  }
0xa1: {  	p2 =	seq.s32 s15, $0x4  }
.Ltmp5:
0xa2: {  	_ = 	snop;
	(pc) =	sbr.rel @!p2 .LBB2_5-.Ltmp5, $2  }
0xa3: {  	_ =	sdelay $0x2  }
0xa4: {  	p0 =	por !p0, !p0;
	p1 =	por !p1, !p1;
	s16 =	smov.u32 s15  }
0xa5: {  	s14 =	sadd.s32 $0x1, s14  }
0xa6: {  	p0 =	sne.s32 s14, s7  }
.Ltmp6:
0xa7: {  	_ = 	snop;
	(pc) =	sbr.rel @p0 .LBB2_1-.Ltmp6, $4  }
0xa8: {  	[hbm4b:s6+s2] =	stream.linear.scatter [tilespmem:s13], [sflag:$0x2], $0x200, $0x38;
	[tilespmem:$0x1E200] =	vst v63  }
0xa9: {  	_ =	swait.ge [sflag:s11], $0x200  }
0xaa: {  	[sflag:s11] =	ssyncset.done $0x0  }
0xab: {  	[sflag:s11] =	ssyncadd.s32 $0xFFFFFE00  }
0xac: {  	_ =	sfence.sel $0x180000  }
0xad: {  	[bflag:$0x0] =	sbarrier.arrive $0xFFFF  }
0xae: {  	p0 =	sne.s32 s1, $0x0;
	_ =	strace $0x90000047  }
0xaf: {  	s0 =	sadd.s32 @!p0 $0x100000, s0;
	[bflag:$0x2] =	sbarrier.arrive $0xFFFF  }
0xb0: {  	[sflag:s0] =	ssyncadd.tile.s32 @!p0 $0x1;
	_ =	shalt  }
.Lfunc_end2:
_tile_overlayer_lowered:
.L_overlay_start_2:
0xb1: {  	(tag) =	ssettag $0x2  }
0xb2: {  	s0 =	rddreg [dreg:$0x0];
	s2 =	stileid.u32  }
0xb3: {  	s1 =	rddreg [dreg:$0x1];
	p0 =	sne.s32 s2, $0x0  }
0xb4: {  	s3 =	rddreg [dreg:$0x2];
	[bflag:$0x3] =	sbarrier.arrive $0xFFFF;
	s2 =	simm.s32 @!p0 $0x1C02  }
0xb5: {  	[timem:s3], [sflag:s2] =	dma.local @!p0 [hbm:s0], s1  }
0xb6: {  	s0 =	simm.s32 @!p0 $0x2  }
0xb7: {  	_ =	swait.ge @!p0 [sflag:s0], s1  }
0xb8: {  	s1 =	ssub.s32 @!p0 $0x0, s1;
	[sflag:s0] =	ssyncset.done @!p0 $0x0  }
0xb9: {  	[sflag:s0] =	ssyncadd.s32 @!p0 s1  }
0xba: {  	[bflag:$0x3] =	sbarrier.arrive $0xFFFF  }
0xbb: {  	_ =	shalt  }

// kernel: kernel.7.cloned.1.call-start
scs
__scs_entry_jumppad:
0x0: {  	(pc) =	sbr.rel $0x88, $3  }
0x1: {  	(tag) =	ssettag $0x0;
	lr =	simm.s32 $0x1  }
0x2: {  	[smem:$0x3F9D] =	sst lr;
	_ =	strace $0xD0000000  }
0x3: {  	_ = 	snop  }
0x4: {  	_ = 	snop  }
0x5: {  	_ = 	snop  }
0x6: {  	_ = 	snop  }
0x7: {  	_ = 	snop  }
__scs_overlays_trampoline_lowered:
0x8: {  	[smem:$0x3FAC] =	sst s0  }
0x9: {  	[smem:$0x3FAD] =	sst s1  }
0xa: {  	[smem:$0x3FAE] =	sst s2  }
0xb: {  	[smem:$0x3FAF] =	sst s3  }
0xc: {  	[smem:$0x3FB0] =	sst s4  }
0xd: {  	[smem:$0x3FB1] =	sst s5  }
0xe: {  	[smem:$0x3FB2] =	sst s6  }
0xf: {  	[smem:$0x3FB3] =	sst s7  }
0x10: {  	[smem:$0x3FB4] =	sst s8  }
0x11: {  	[smem:$0x3FB5] =	sst s9;
	s0 =	simm.s32 @!p0 $0x0  }
0x12: {  	s1 =	sld [smem:$0x3F9B];
	s0 =	simm.s32 @p0 $0x1  }
0x13: {  	[smem:$0x3FB6] =	sst s0;
	s0 =	simm.s32 @!p1 $0x0  }
0x14: {  	s2 =	sld [smem:$0x3F9A];
	s0 =	simm.s32 @p1 $0x1  }
0x15: {  	[smem:$0x3FB7] =	sst s0;
	s0 =	simm.s32 @!p2 $0x0  }
0x16: {  	s3 =	sld [smem:$0x3FDB];
	s0 =	simm.s32 @p2 $0x1  }
0x17: {  	s4 =	simm.s32 $0x1BF5;
	[smem:$0x3FB9] =	sst s0  }
0x18: {  	s0 =	sld [smem:$0x3F9C];
	_ =	swait.ge [sflag:s4], $0x0  }
0x19: {  	s7 =	sld [smem:$0x3F9D]  }
0x1a: {  	s8 =	sadd.s32 $0xFFFFE003, lr  }
0x1b: {  	s9 =	sadd.s32 $0xFFFFFEF7, lr;
	s5 =	simm.s32 $0xFFFFFFFF;
	p2 =	slt.u32 s8, $0xFFFFF086  }
0x1c: {  	p1 =	slt.u32 s9, $0xF7A;
	s5 =	simm.s32 @!p2 $0x0  }
0x1d: {  	s5 =	simm.s32 @p1 $0x1;
	p0 =	seq.s32 s7, s2  }
0x1e: {  	s7 =	smul.u32 @!p0 $0xF7A, s2;
	p2 =	seq.s32 @!p0 s5, $0x0  }
0x1f: {  	s9 =	smul.u32 $0xF7A, s1;
	s8 =	simm.s32 @!p0 $0x1BF5;
	p2 =	por !p2, p0  }
0x20: {  	[sflag:s8] =	ssyncset.s32 @!p0 $0xFFFFF086;
	s6 =	sadd.s32 @!p0 s3, s7;
	s7 =	simm.s32 @!p0 $0x108  }
0x21: {  	s3 =	sadd.s32 s3, s9;
	s6 =	sadd.s32 @!p0 $0x88, s6;
	s7 =	simm.s32 @p2 $0x1082  }
0x22: {  	[simem:s7], [sflag:s8] =	dma.local @!p0 [hbm:s6], $0xF7A  }
0x23: {  	s9 =	sor.u32 $0xD0000000, s2;
	s6 =	simm.s32 $0x108;
	_ =	swait.ge @!p0 [sflag:s8], $0x0  }
0x24: {  	s3 =	sadd.s32 $0x88, s3;
	s6 =	simm.s32 @!p1 $0x1082;
	[sflag:s4] =	ssyncset.s32 $0xFFFFF086  }
0x25: {  	[simem:s6], [sflag:s4] =	dma.local [hbm:s3], $0xF7A  }
0x26: {  	[smem:$0x3F9D] =	sst s1;
	(tag) =	ssettag s2;
	_ =	strace s9  }
0x27: {  	s1 =	sld [smem:$0x3FAD]  }
0x28: {  	s2 =	sld [smem:$0x3FAE]  }
0x29: {  	s4 =	sld [smem:$0x3FB0]  }
0x2a: {  	p0 =	seq.s32 s5, $0x0;
	s5 =	sld [smem:$0x3FB1]  }
0x2b: {  	s6 =	sld [smem:$0x3FB2]  }
0x2c: {  	s7 =	sld [smem:$0x3FB3]  }
0x2d: {  	s3 =	simm.s32 $0x108;
	s8 =	sld [smem:$0x3FB4]  }
0x2e: {  	s3 =	simm.s32 @!p0 $0x1082;
	s9 =	sld [smem:$0x3FB5]  }
0x2f: {  	lr =	sadd.s32 s0, s3;
	s0 =	sld [smem:$0x3FAC]  }
0x30: {  	s3 =	sld [smem:$0x3FAF]  }
0x31: {  	[smem:$0x3FB8] =	sst s10  }
0x32: {  	s10 =	sld [smem:$0x3FB6];
	_ =	sdelay $0x3  }
0x33: {  	p0 =	seq.s32 s10, $0x1;
	s10 =	sld [smem:$0x3FB8];
	_ =	sdelay $0x3  }
0x34: {  	[smem:$0x3FB8] =	sst s10  }
0x35: {  	s10 =	sld [smem:$0x3FB7];
	_ =	sdelay $0x3  }
0x36: {  	p1 =	seq.s32 s10, $0x1;
	s10 =	sld [smem:$0x3FB8];
	_ =	sdelay $0x3  }
0x37: {  	[smem:$0x3FB8] =	sst s10  }
0x38: {  	s10 =	sld [smem:$0x3FB9]  }
0x39: {  	_ = 	snop;
	(pc) =	sbr.ind lr, $3  }
0x3a: {  	_ = 	snop  }
0x3b: {  	_ = 	snop  }
0x3c: {  	p2 =	seq.s32 s10, $0x1;
	s10 =	sld [smem:$0x3FB8]  }
0x3d: {  	_ =	shalt  }
0x3e: {  	_ =	shalt  }
0x3f: {  	_ =	shalt  }
0x40: {  	_ =	shalt  }
0x41: {  	_ =	shalt  }
0x42: {  	_ =	shalt  }
0x43: {  	_ =	shalt  }
0x44: {  	_ =	shalt  }
0x45: {  	_ =	shalt  }
0x46: {  	_ =	shalt  }
0x47: {  	_ =	shalt  }
0x48: {  	_ =	shalt  }
0x49: {  	_ =	shalt  }
0x4a: {  	_ =	shalt  }
0x4b: {  	_ =	shalt  }
0x4c: {  	_ =	shalt  }
0x4d: {  	_ =	shalt  }
0x4e: {  	_ =	shalt  }
0x4f: {  	_ =	shalt  }
0x50: {  	_ =	shalt  }
0x51: {  	_ =	shalt  }
0x52: {  	_ =	shalt  }
0x53: {  	_ =	shalt  }
0x54: {  	_ =	shalt  }
0x55: {  	_ =	shalt  }
0x56: {  	_ =	shalt  }
0x57: {  	_ =	shalt  }
0x58: {  	_ =	shalt  }
0x59: {  	_ =	shalt  }
0x5a: {  	_ =	shalt  }
0x5b: {  	_ =	shalt  }
0x5c: {  	_ =	shalt  }
0x5d: {  	_ =	shalt  }
0x5e: {  	_ =	shalt  }
0x5f: {  	_ =	shalt  }
0x60: {  	_ =	shalt  }
0x61: {  	_ =	shalt  }
0x62: {  	_ =	shalt  }
0x63: {  	_ =	shalt  }
0x64: {  	_ =	shalt  }
0x65: {  	_ =	shalt  }
0x66: {  	_ =	shalt  }
0x67: {  	_ =	shalt  }
0x68: {  	_ =	shalt  }
0x69: {  	_ =	shalt  }
0x6a: {  	_ =	shalt  }
0x6b: {  	_ =	shalt  }
0x6c: {  	_ =	shalt  }
0x6d: {  	_ =	shalt  }
0x6e: {  	_ =	shalt  }
0x6f: {  	_ =	shalt  }
0x70: {  	_ =	shalt  }
0x71: {  	_ =	shalt  }
0x72: {  	_ =	shalt  }
0x73: {  	_ =	shalt  }
0x74: {  	_ =	shalt  }
0x75: {  	_ =	shalt  }
0x76: {  	_ =	shalt  }
0x77: {  	_ =	shalt  }
0x78: {  	_ =	shalt  }
0x79: {  	_ =	shalt  }
0x7a: {  	_ =	shalt  }
0x7b: {  	_ =	shalt  }
0x7c: {  	_ =	shalt  }
0x7d: {  	_ =	shalt  }
0x7e: {  	_ =	shalt  }
0x7f: {  	_ =	shalt  }
0x80: {  	_ =	shalt  }
0x81: {  	_ =	shalt  }
0x82: {  	_ =	shalt  }
0x83: {  	_ =	shalt  }
0x84: {  	_ =	shalt  }
0x85: {  	_ =	shalt  }
0x86: {  	_ =	shalt  }
0x87: {  	_ =	shalt  }
.Lfunc_end0:
.L_simem_size_0:
called_computation.1_lowered:
.L_overlay_start_0:
0x88: {  	s2 =	sld [smem:$0x3FD9]  }
0x89: {  	s3 =	sld [smem:$0x3FFE];
	_ =	sdelay $0x1  }
0x8a: {  	s1 =	srdreg.scid  }
0x8b: {  	s0 =	sand.u32 $0x1, s1  }
0x8c: {  	s17 =	sshll.u32 s0, $0xA;
	s2 =	sadd.s32 s3, s2  }
0x8d: {  	s2 =	sadd.s32 s2, s17  }
0x8e: {  	[smem:$0x3FC4] =	sst s2  }
0x8f: {  	_ = 	snop  }
0x90: {  	s2 =	sld [smem:$0x3FD0];
	(tm) =	ssettm $0x1  }
0x91: {  	s18 =	sld [smem:$0x3FFB];
	_ =	sdelay $0x3  }
0x92: {  	_ =	strace s18  }
0x93: {  	s3 =	sld [smem:$0x3FFC];
	_ =	sdelay $0x3  }
0x94: {  	_ =	strace s3  }
0x95: {  	s3 =	sld [smem:$0x3FFD];
	_ =	sdelay $0x3  }
0x96: {  	_ =	strace s3  }
0x97: {  	_ =	strace $0x8FFFFFFF  }
0x98: {  	s19 =	sld [smem:$0x3FDB];
	_ =	sdelay $0x1  }
0x99: {  	s4 =	simm.s32 $_scs_section_size  }
0x9a: {  	s5 =	simm.s32 $_size__tile_overlayer_lowered;
	s6 =	simm.s32 $_tile_overlayer_lowered  }
0x9b: {  	s22 =	simm.s32 $0x1BFF;
	s21 =	sshll.u32 s6, $0x1;
	s3 =	sadd.s32 s4, s19  }
0x9c: {  	s7 =	simm.s32 $0x0;
	s20 =	sshll.u32 s5, $0x1;
	s5 =	sadd.s32 s21, s3  }
0x9d: {  	[timem:s7], [sflag:s22] =	dma.local [hbm:s5], s20  }
0x9e: {  	_ =	swait.ge [sflag:s22], s20  }
0x9f: {  	s4 =	ssub.s32 $0x0, s20;
	[sflag:s22] =	ssyncset.done $0x0  }
0xa0: {  	[sflag:s22] =	ssyncadd.s32 s4;
	_ =	sdelay $0x1  }
0xa1: {  	s23 =	simm.s32 $0x1B8B  }
0xa2: {  	_ =	swait.ge [sflag:s23], $0x1  }
0xa3: {  	[sflag:s23] =	ssyncset.done $0x0  }
0xa4: {  	s25 =	simm.s32 $0x1B8E;
	s24 =	sld [smem:$0x3FFE];
	[sflag:s23] =	ssyncadd.s32 $0xFFFFFFFF  }
0xa5: {  	s26 =	simm.s32 $execute0_lowered;
	[smem:$0x3FD2] =	sst s25  }
0xa6: {  	s5 =	sshll.u32 s26, $0x1;
	_ =	strace $0x80000049;
	[dreg:$0x1] =	wrdreg $0xFFFFFFFF  }
0xa7: {  	s28 =	simm.s32 $_size_execute0_lowered;
	s3 =	sadd.s32 s3, s5;
	[dreg:$0x0] =	wrdreg $0x0  }
0xa8: {  	s5 =	sshll.u32 s28, $0x1;
	[dreg:$0x2] =	wrdreg s3  }
0xa9: {  	[dreg:$0x3] =	wrdreg s5  }
0xaa: {  	[dreg:$0x4] =	wrdreg $0xC0  }
0xab: {  	_ =	task [dreg:s7], $0x5FFFF  }
0xac: {  	[dreg:$0x1] =	wrdreg $0xFFFFFFFF  }
0xad: {  	[dreg:$0x0] =	wrdreg $0x60  }
0xae: {  	[dreg:$0x2] =	wrdreg s24  }
0xaf: {  	[dreg:$0x3] =	wrdreg s2  }
0xb0: {  	[dreg:$0x4] =	wrdreg $0x6A100  }
0xb1: {  	[dreg:$0x5] =	wrdreg $0x9  }
0xb2: {  	_ =	task.clear_ibuf [dreg:s7], $0x6FFFF;
	_ =	strace $0x90000049  }
0xb3: {  	s29 =	simm.s32 $0x9;
	_ =	strace $0x8000004B  }
0xb4: {  	_ =	swait.ge [sflag:s29], $0x1  }
0xb5: {  	[sflag:s29] =	ssyncadd.s32 $0xFFFFFFFF  }
0xb6: {  	_ =	strace $0x9000004B  }
0xb7: {  	_ =	sfence  }
0xb8: {  	s30 =	sld [smem:$0x0];
	_ =	sdelay $0x2  }
0xb9: {  	s31 =	sshll.u32 s1, $0xD;
	s1 =	sshrl.u32 s1, $0x2  }
0xba: {  	s3 =	sand.u32 $0x4000, s31;
	s1 =	sadd.s32 s1, s30  }
0xbb: {  	s0 =	sor.u32 s3, s0;
	s1 =	sshll.u32 s1, $0x11  }
0xbc: {  	s0 =	sor.u32 s1, s0  }
0xbd: {  	s0 =	sadd.s32 $0x8F2B, s0  }
0xbe: {  	[sflag:s0] =	ssyncadd.remote.s32 $0x1  }
0xbf: {  	_ =	sfence.sel $0xFFFF  }
0xc0: {  	[dreg:$0x0] =	wrdreg $0xFFFFFFFF;
	(pc) =	sbr.abs _section_cstart, $3  }
0xc1: {  	[dreg:$0x1] =	wrdreg $0xFFFFFFFF  }
0xc2: {  	_ =	task.clear_ibuf [dreg:s7], $0x2FFFF;
	_ =	strace $0x9FFFFFFF  }
0xc3: {  	(tm) =	ssettm $0x7FFFFFFF  }
tec
execute0_lowered:
.L_overlay_start_1:
0x0: {  	(tag) =	ssettag $0x1  }
0x1: {  	s6 =	rddreg [dreg:$0x0]  }
0x2: {  	s9 =	rddreg [dreg:$0x1]  }
0x3: {  	s2 =	rddreg [dreg:$0x2]  }
0x4: {  	s0 =	rddreg [dreg:$0x3];
	s3 =	simm.s32 $0x0  }
0x5: {  	s1 =	stileid.u32;
	s4 =	srdreg.scid;
	s13 =	simm.s32 $0x200  }
0x6: {  	s14 =	simm.s32 $0x4000;
	s15 =	simm.s32 $0x4;
	s16 =	simm.s32 $0x6800  }
0x7: {  	s17 =	simm.s32 $0x6A00;
	s18 =	simm.s32 $0x80;
	s19 =	simm.s32 $0x2  }
0x8: {  	s20 =	simm.s32 $0x1;
	s21 =	simm.s32 $0x0;
	[smem:$0x7FF] =	sst s3  }
0x9: {  	s5 =	sshll.u32 s1, $0x9;
	s4 =	sand.u32 $0x1, s4;
	s7 =	sshll.u32 s1, $0x7  }
0xa: {  	s31 =	sshll.u32 s1, $0xC;
	_ =	strace $0x8000004A;
	s8 =	sshll.u32 s4, $0x6  }
0xb: {  	s10 =	ssub.s32 $0x2, s4;
	s12 =	sadd.s32 s5, s6;
	s4 =	sadd.s32 $0xA00, s6  }
0xc: {  	s5 =	sadd.s32 $0xF4000, s2;
	s11 =	sor.u32 s8, s7;
	s30 =	sshrl.u32 s10, $0x1  }
0xd: {  	s12 =	sadd.s32 $0x11200, s12;
	s8 =	sadd.s32 s11, s6;
	s10 =	ssub.s32 s10, s30  }
0xe: {  	s6 =	sadd.s32 $0x2FA00, s6;
	s9 =	sadd.s32 s9, s11;
	s11 =	sadd.s32 s31, s2  }
0xf: {  	s7 =	sadd.s32 $0x2FC00, s8;
	s8 =	sadd.s32 $0x10A00, s8;
	s10 =	smax.u32 s10, $0x1  }
.LBB2_1:
0x10: {  	s22 =	sadd.s32 $0xFFFFFEF0, s1  }
0x11: {  	s23 =	sadd.s32 $0x110, s22  }
0x12: {  	p0 =	sgt.u32 s23, $0xF3  }
0x13: {  	p1 =	sne.s32 @p0 s22, $0xFFFFFFE4  }
0x14: {  	s22 =	sadd.s32 $0xFFFFFF00, s1;
	s24 =	sshll.u32 @!p0 s1, $0x6;
	p1 =	por p1, !p0  }
0x15: {  	s25 =	sshrl.u32 @!p0 s11, $0x3;
	s24 =	sor.u32 @!p0 $0x1C03, s24;
	s23 =	sshll.u32 @!p1 s1, $0x6  }
0x16: {  	s31 =	sadd.s32 $0x110, s22;
	s26 =	sshrl.u32 @!p1 s5, $0x3;
	s23 =	sor.u32 @!p1 $0x1C03, s23  }
0x17: {  	[spmem:s26], [sflag:s23] =	dma.local @!p1 [hbm:s6], $0x48  }
0x18: {  	[spmem:s25], [sflag:s24] =	dma.local @!p0 [hbm:s12], $0x200  }
0x19: {  	s23 =	simm.s32 $0xFFFFFF10;
	p0 =	sgt.u32 s31, $0xF3  }
0x1a: {  	s24 =	smov.u32 s12;
	p1 =	sne.s32 @p0 s22, $0xFFFFFFE4;
	s22 =	sadd.s32 $0x10000, s11  }
.LBB2_2:
0x1b: {  	s25 =	sadd.s32 s23, s1;
	p1 =	por p1, !p0  }
0x1c: {  	s24 =	sadd.s32 $0x2000, s24;
	s28 =	sshll.u32 @!p0 s1, $0x6;
	s29 =	sshrl.u32 @!p0 s22, $0x3  }
0x1d: {  	s23 =	sadd.s32 $0x10, s23;
	s26 =	sshll.u32 @!p1 s1, $0x6;
	s30 =	sshrl.u32 @!p1 s5, $0x3  }
0x1e: {  	s28 =	sor.u32 @!p0 $0x1C03, s28;
	p2 =	sne.s32 s23, $0x0;
	s26 =	sor.u32 @!p1 $0x1C03, s26  }
0x1f: {  	[spmem:s30], [sflag:s26] =	dma.local @!p1 [hbm:s6], $0x48  }
.Ltmp0:
0x20: {  	_ = 	snop;
	(pc) =	sbr.rel @p2 .LBB2_2-.Ltmp0, $4  }
0x21: {  	[spmem:s29], [sflag:s28] =	dma.local @!p0 [hbm:s24], $0x200  }
0x22: {  	s26 =	sadd.s32 $0x110, s25  }
0x23: {  	p0 =	sgt.u32 s26, $0xF3  }
0x24: {  	s22 =	sadd.s32 $0x10000, s22;
	p1 =	sne.s32 @p0 s25, $0xFFFFFFE4  }
0x25: {  	p1 =	por p1, !p0;
	s23 =	sadd.s32 $0x2000, s24  }
0x26: {  	s25 =	sshll.u32 @!p0 s1, $0x6;
	s22 =	sshrl.u32 @!p0 s22, $0x3;
	s24 =	sshll.u32 @!p1 s1, $0x6  }
0x27: {  	s26 =	sshrl.u32 @!p1 s5, $0x3;
	s25 =	sor.u32 @!p0 $0x1C03, s25;
	s24 =	sor.u32 @!p1 $0x1C03, s24  }
0x28: {  	[spmem:s26], [sflag:s24] =	dma.local @!p1 [hbm:s6], $0x48  }
0x29: {  	[spmem:s22], [sflag:s25] =	dma.local @!p0 [hbm:s23], $0x200  }
0x2a: {  	[tilespmem:s3], [sflag:$0x4] =	stream.strided.gather [hbm4b:s7+s13], $0x3400, s14, s13, $0x38;
	[tilespmem:$0x15E38] =	vst v63  }
0x2b: {  	_ =	swait.ge [sflag:s15], $0x3400  }
0x2c: {  	s22 =	sadd.s32 $0xFFFFFEF0, s1;
	[sflag:s15] =	ssyncset.done $0x0  }
0x2d: {  	s30 =	sadd.s32 $0x110, s22;
	[sflag:s15] =	ssyncadd.s32 $0xFFFFCC00  }
0x2e: {  	[tilespmem:s16], [sflag:$0x2] =	stream.linear.gather [hbm4b:s8+s3], $0x200, $0x38;
	[tilespmem:$0x15E38] =	vst v63  }
0x2f: {  	p0 =	sgt.u32 s30, $0xF3  }
0x30: {  	[tilespmem:s17], [sflag:$0x4] =	stream.linear.gather [hbm4b:s4+s3], $0x10, $0x38;
	[tilespmem:$0x15E38] =	vst v63  }
0x31: {  	p1 =	sne.s32 @p0 s22, $0xFFFFFFE4;
	_ =	swait.ge [sflag:s15], $0x10  }
0x32: {  	p2 =	por p1, !p0;
	[sflag:s15] =	ssyncset.done $0x0  }
0x33: {  	s22 =	simm.s32 @!p2 $0x3;
	[sflag:s15] =	ssyncadd.s32 $0xFFFFFFF0  }
0x34: {  	s24 =	sadd.s32 $0xFFFFFF00, s1;
	_ =	swait.ge @!p2 [sflag:s22], $0x48  }
0x35: {  	s31 =	sadd.s32 $0x110, s24;
	p0 =	por p0, p0;
	[sflag:s22] =	ssyncset.done @!p2 $0x0  }
0x36: {  	p1 =	sgt.u32 s31, $0xF3;
	s23 =	simm.s32 @!p0 $0x3;
	[sflag:s22] =	ssyncadd.s32 @!p2 $0xFFFFFFB8  }
0x37: {  	p2 =	sne.s32 @p1 s24, $0xFFFFFFE4;
	_ =	swait.ge @!p0 [sflag:s23], $0x200  }
0x38: {  	s22 =	simm.s32 $0xFFFFFF10;
	p2 =	por p2, !p1;
	[sflag:s23] =	ssyncset.done @!p0 $0x0  }
.LBB2_4:
0x39: {  	[sflag:s23] =	ssyncadd.s32 @!p0 $0xFFFFFE00;
	s23 =	smov.u32 s22;
	s22 =	sadd.s32 $0x10, s22  }
0x3a: {  	s24 =	simm.s32 @!p2 $0x3;
	p0 =	por p1, p1;
	p3 =	sne.s32 s22, $0x0  }
.Ltmp1:
0x3b: {  	s25 =	sadd.s32 s23, s1;
	_ =	swait.ge @!p2 [sflag:s24], $0x48;
	(pc) =	sbr.rel @p3 .LBB2_4-.Ltmp1, $4  }
0x3c: {  	s23 =	sadd.s32 $0x110, s25;
	[sflag:s24] =	ssyncset.done @!p2 $0x0  }
0x3d: {  	p1 =	sgt.u32 s23, $0xF3;
	[sflag:s24] =	ssyncadd.s32 @!p2 $0xFFFFFFB8;
	s23 =	simm.s32 @!p0 $0x3  }
0x3e: {  	p2 =	sne.s32 @p1 s25, $0xFFFFFFE4;
	_ =	swait.ge @!p0 [sflag:s23], $0x200  }
0x3f: {  	p2 =	por p2, !p1;
	[sflag:s23] =	ssyncset.done @!p0 $0x0  }
0x40: {  	s22 =	simm.s32 @!p2 $0x3;
	[sflag:s23] =	ssyncadd.s32 @!p0 $0xFFFFFE00  }
0x41: {  	_ =	swait.ge @!p2 [sflag:s22], $0x48  }
0x42: {  	p0 =	por p1, p1;
	[sflag:s22] =	ssyncset.done @!p2 $0x0  }
0x43: {  	[sflag:s22] =	ssyncadd.s32 @!p2 $0xFFFFFFB8;
	s22 =	simm.s32 @!p0 $0x3  }
0x44: {  	_ =	swait.ge @!p0 [sflag:s22], $0x200  }
0x45: {  	[sflag:s22] =	ssyncset.done @!p0 $0x0  }
0x46: {  	s25 =	simm.s32 $0x0;
	s26 =	simm.s32 $0x3400;
	[sflag:s22] =	ssyncadd.s32 @!p0 $0xFFFFFE00  }
0x47: {  	s28 =	simm.s32 $0x3480;
	s29 =	simm.s32 $0x80;
	[bflag:$0x0] =	sbarrier.arrive $0xFFFF  }
0x48: {  	[tilespmem:s26], [sflag:$0x1] =	stream.indirect.gather [spmem:s2], $0x1, s25, s18, $0xb8;
	[tilespmem:$0x15E38] =	vst v63  }
0x49: {  	s30 =	simm.s32 $0x3500;
	s31 =	simm.s32 $0x100;
	s23 =	simm.s32 $0x1000  }
0x4a: {  	[tilespmem:s28], [sflag:$0x1] =	stream.indirect.gather [spmem:s2], $0x1, s29, s18, $0xb8;
	[tilespmem:$0x15E38] =	vst v63  }
0x4b: {  	s24 =	simm.s32 $0x3580;
	s22 =	simm.s32 $0x200;
	s25 =	simm.s32 $0x180  }
0x4c: {  	[tilespmem:s30], [sflag:$0x1] =	stream.indirect.gather [spmem:s2], $0x1, s31, s18, $0xb8;
	[tilespmem:$0x15E38] =	vst v63  }
.LBB2_6:
0x4d: {  	[tilespmem:s24], [sflag:$0x1] =	stream.indirect.gather [spmem:s2], $0x1, s25, s18, $0xb8;
	[tilespmem:$0x15E38] =	vst v63  }
0x4e: {  	s24 =	smov.u32 s23;
	s28 =	sadd.s32 $0x800, s23  }
0x4f: {  	p0 =	sne.s32 s23, $0xC800;
	s26 =	sshra.s32 s24, $0x2;
	s24 =	sadd.s32 $0x3400, s22  }
0x50: {  	[tilespmem:s24], [sflag:$0x1] =	stream.indirect.gather [spmem:s2], $0x1, s22, s18, $0xb8;
	[tilespmem:$0x15E38] =	vst v63  }
.Ltmp2:
0x51: {  	s25 =	sadd.s32 $0x80, s22;
	s24 =	sadd.s32 $0x3480, s22;
	(pc) =	sbr.rel @p0 .LBB2_6-.Ltmp2, $4  }
0x52: {  	[tilespmem:s24], [sflag:$0x1] =	stream.indirect.gather [spmem:s2], $0x1, s25, s18, $0xb8;
	[tilespmem:$0x15E38] =	vst v63  }
0x53: {  	s23 =	sadd.s32 $0x3500, s22;
	s24 =	sadd.s32 $0x100, s22;
	s25 =	sadd.s32 $0x180, s22  }
0x54: {  	[tilespmem:s23], [sflag:$0x1] =	stream.indirect.gather [spmem:s2], $0x1, s24, s18, $0xb8;
	[tilespmem:$0x15E38] =	vst v63  }
0x55: {  	s24 =	sadd.s32 $0x3580, s22;
	s22 =	smov.u32 s26;
	s23 =	smov.u32 s28  }
0x56: {  	[tilespmem:s24], [sflag:$0x1] =	stream.indirect.gather [spmem:s2], $0x1, s25, s18, $0xb8;
	[tilespmem:$0x15E38] =	vst v63  }
0x57: {  	s23 =	sadd.s32 $0x3400, s22  }
0x58: {  	[tilespmem:s23], [sflag:$0x1] =	stream.indirect.gather [spmem:s2], $0x1, s22, s18, $0xb8;
	[tilespmem:$0x15E38] =	vst v63  }
0x59: {  	s25 =	sadd.s32 $0x3480, s22;
	s26 =	sadd.s32 $0x80, s22  }
0x5a: {  	[tilespmem:s25], [sflag:$0x1] =	stream.indirect.gather [spmem:s2], $0x1, s26, s18, $0xb8;
	[tilespmem:$0x15E38] =	vst v63  }
0x5b: {  	s28 =	sadd.s32 $0x3500, s22;
	s29 =	sadd.s32 $0x100, s22  }
0x5c: {  	[tilespmem:s28], [sflag:$0x1] =	stream.indirect.gather [spmem:s2], $0x1, s29, s18, $0xb8;
	[tilespmem:$0x15E38] =	vst v63  }
0x5d: {  	s30 =	sadd.s32 $0x3580, s22;
	s31 =	sadd.s32 $0x180, s22  }
0x5e: {  	[tilespmem:s30], [sflag:$0x1] =	stream.indirect.gather [spmem:s2], $0x1, s31, s18, $0xb8;
	[tilespmem:$0x15E38] =	vst v63  }
0x5f: {  	_ =	swait.ge [sflag:s19], $0x200  }
0x60: {  	[sflag:s19] =	ssyncset.done $0x0  }
0x61: {  	[sflag:s19] =	ssyncadd.s32 $0xFFFFFE00  }
0x62: {  	_ =	swait.ge [sflag:s20], $0x80  }
0x63: {  	[sflag:s20] =	ssyncset.done $0x0  }
0x64: {  	[sflag:s20] =	ssyncadd.s32 $0xFFFFFF80  }
0x65: {  	_ =	swait.ge [sflag:s20], $0x80  }
0x66: {  	[sflag:s20] =	ssyncset.done $0x0  }
0x67: {  	[sflag:s20] =	ssyncadd.s32 $0xFFFFFF80  }
0x68: {  	_ =	swait.ge [sflag:s20], $0x80  }
0x69: {  	[sflag:s20] =	ssyncset.done $0x0  }
0x6a: {  	[sflag:s20] =	ssyncadd.s32 $0xFFFFFF80  }
0x6b: {  	_ =	swait.ge [sflag:s20], $0x80  }
0x6c: {  	s22 =	simm.s32 $0x19;
	[sflag:s20] =	ssyncset.done $0x0  }
.LBB2_8:
0x6d: {  	p0 =	sne.s32 s22, $0x1;
	s22 =	sadd.s32 $0xFFFFFFFF, s22;
	[sflag:s20] =	ssyncadd.s32 $0xFFFFFF80  }
0x6e: {  	_ =	swait.ge [sflag:s20], $0x80  }
0x6f: {  	[sflag:s20] =	ssyncset.done $0x0  }
0x70: {  	[sflag:s20] =	ssyncadd.s32 $0xFFFFFF80  }
0x71: {  	_ =	swait.ge [sflag:s20], $0x80  }
0x72: {  	[sflag:s20] =	ssyncset.done $0x0  }
0x73: {  	[sflag:s20] =	ssyncadd.s32 $0xFFFFFF80  }
.Ltmp3:
0x74: {  	_ =	swait.ge [sflag:s20], $0x80;
	(pc) =	sbr.rel @p0 .LBB2_8-.Ltmp3, $4  }
0x75: {  	[sflag:s20] =	ssyncset.done $0x0  }
0x76: {  	[sflag:s20] =	ssyncadd.s32 $0xFFFFFF80  }
0x77: {  	_ =	swait.ge [sflag:s20], $0x80  }
0x78: {  	[sflag:s20] =	ssyncset.done $0x0  }
0x79: {  	[sflag:s20] =	ssyncadd.s32 $0xFFFFFF80  }
0x7a: {  	s22 =	simm.s32 $0x0;
	s23 =	simm.s32 $0x40;
	v0 =	vld [tilespmem:$0x6A00]  }
.LBB2_10:
0x7b: {  	p0 =	sne.s32 s23, $0x7C0;
	v1 =	vld [tilespmem:s22+$0x6800];
	_ =	sdelay $0x1  }
0x7c: {  	v2 =	vld [tilespmem:s22+$0x3400];
	_ =	sdelay $0x1  }
0x7d: {  	v3 =	vld [tilespmem:s22+$0x3600]  }
0x7e: {  	v1 =	vadd.f32 v1, v0  }
0x7f: {  	v4 =	vld [tilespmem:s22+$0x3800]  }
0x80: {  	v1 =	vadd.f32 v2, v1  }
0x81: {  	v2 =	vld [tilespmem:s22+$0x3A00]  }
0x82: {  	v1 =	vadd.f32 v3, v1  }
0x83: {  	v3 =	vld [tilespmem:s22+$0x3C00]  }
0x84: {  	v1 =	vadd.f32 v4, v1  }
0x85: {  	v4 =	vld [tilespmem:s22+$0x3E00]  }
0x86: {  	v1 =	vadd.f32 v2, v1  }
0x87: {  	v2 =	vld [tilespmem:s22+$0x4000]  }
0x88: {  	v1 =	vadd.f32 v3, v1  }
0x89: {  	v3 =	vld [tilespmem:s22+$0x4200]  }
0x8a: {  	v1 =	vadd.f32 v4, v1  }
0x8b: {  	v4 =	vld [tilespmem:s22+$0x4400]  }
0x8c: {  	v1 =	vadd.f32 v2, v1  }
0x8d: {  	v2 =	vld [tilespmem:s22+$0x4600]  }
0x8e: {  	v1 =	vadd.f32 v3, v1  }
0x8f: {  	v3 =	vld [tilespmem:s22+$0x4800]  }
0x90: {  	v1 =	vadd.f32 v4, v1  }
0x91: {  	v4 =	vld [tilespmem:s22+$0x4A00]  }
0x92: {  	v1 =	vadd.f32 v2, v1  }
0x93: {  	v2 =	vld [tilespmem:s22+$0x4C00]  }
0x94: {  	v1 =	vadd.f32 v3, v1  }
0x95: {  	v3 =	vld [tilespmem:s22+$0x4E00]  }
0x96: {  	v1 =	vadd.f32 v4, v1  }
0x97: {  	v4 =	vld [tilespmem:s22+$0x5000]  }
0x98: {  	v1 =	vadd.f32 v2, v1  }
0x99: {  	v2 =	vld [tilespmem:s22+$0x5200]  }
0x9a: {  	v1 =	vadd.f32 v3, v1  }
0x9b: {  	v3 =	vld [tilespmem:s22+$0x5400]  }
0x9c: {  	v1 =	vadd.f32 v4, v1  }
0x9d: {  	v4 =	vld [tilespmem:s22+$0x5600]  }
0x9e: {  	v1 =	vadd.f32 v2, v1  }
0x9f: {  	v2 =	vld [tilespmem:s22+$0x5800]  }
0xa0: {  	v1 =	vadd.f32 v3, v1  }
0xa1: {  	v3 =	vld [tilespmem:s22+$0x5A00]  }
0xa2: {  	v1 =	vadd.f32 v4, v1  }
0xa3: {  	v4 =	vld [tilespmem:s22+$0x5C00]  }
0xa4: {  	v1 =	vadd.f32 v2, v1  }
0xa5: {  	v2 =	vld [tilespmem:s22+$0x5E00]  }
0xa6: {  	v1 =	vadd.f32 v3, v1  }
0xa7: {  	v3 =	vld [tilespmem:s22+$0x6000]  }
0xa8: {  	v1 =	vadd.f32 v4, v1  }
0xa9: {  	v4 =	vld [tilespmem:s22+$0x6200]  }
0xaa: {  	v1 =	vadd.f32 v2, v1  }
0xab: {  	v2 =	vld [tilespmem:s22+$0x6400]  }
0xac: {  	v1 =	vadd.f32 v3, v1  }
0xad: {  	v3 =	vld [tilespmem:s22+$0x6600]  }
0xae: {  	v1 =	vadd.f32 v4, v1;
	_ =	sdelay $0x1  }
.Ltmp4:
0xaf: {  	v1 =	vadd.f32 v2, v1;
	(pc) =	sbr.rel @p0 .LBB2_10-.Ltmp4, $3  }
0xb0: {  	_ = 	snop  }
0xb1: {  	v1 =	vadd.f32 v3, v1;
	_ =	sdelay $0x1  }
0xb2: {  	[tilespmem:s22+$0x6800] =	vst v1;
	s22 =	sshra.s32 s23, $0x2;
	s23 =	sadd.s32 $0x40, s23  }
0xb3: {  	v1 =	vld [tilespmem:s22+$0x6800];
	_ =	sdelay $0x1  }
0xb4: {  	v2 =	vld [tilespmem:s22+$0x3400];
	_ =	sdelay $0x1  }
0xb5: {  	v3 =	vld [tilespmem:s22+$0x3600]  }
0xb6: {  	v0 =	vadd.f32 v1, v0  }
0xb7: {  	v40 =	vld [tilespmem:s22+$0x3800]  }
0xb8: {  	v0 =	vadd.f32 v2, v0  }
0xb9: {  	v41 =	vld [tilespmem:s22+$0x3A00]  }
0xba: {  	v0 =	vadd.f32 v3, v0  }
0xbb: {  	v42 =	vld [tilespmem:s22+$0x3C00]  }
0xbc: {  	v0 =	vadd.f32 v40, v0  }
0xbd: {  	v43 =	vld [tilespmem:s22+$0x3E00]  }
0xbe: {  	v0 =	vadd.f32 v41, v0  }
0xbf: {  	v44 =	vld [tilespmem:s22+$0x4000]  }
0xc0: {  	v0 =	vadd.f32 v42, v0  }
0xc1: {  	v45 =	vld [tilespmem:s22+$0x4200]  }
0xc2: {  	v0 =	vadd.f32 v43, v0  }
0xc3: {  	v46 =	vld [tilespmem:s22+$0x4400]  }
0xc4: {  	v0 =	vadd.f32 v44, v0  }
0xc5: {  	v47 =	vld [tilespmem:s22+$0x4600]  }
0xc6: {  	v0 =	vadd.f32 v45, v0  }
0xc7: {  	v48 =	vld [tilespmem:s22+$0x4800]  }
0xc8: {  	v0 =	vadd.f32 v46, v0  }
0xc9: {  	v49 =	vld [tilespmem:s22+$0x4A00]  }
0xca: {  	v0 =	vadd.f32 v47, v0  }
0xcb: {  	v50 =	vld [tilespmem:s22+$0x4C00]  }
0xcc: {  	v0 =	vadd.f32 v48, v0  }
0xcd: {  	v51 =	vld [tilespmem:s22+$0x4E00]  }
0xce: {  	v0 =	vadd.f32 v49, v0  }
0xcf: {  	v52 =	vld [tilespmem:s22+$0x5000]  }
0xd0: {  	v0 =	vadd.f32 v50, v0  }
0xd1: {  	v53 =	vld [tilespmem:s22+$0x5200]  }
0xd2: {  	v0 =	vadd.f32 v51, v0  }
0xd3: {  	v54 =	vld [tilespmem:s22+$0x5400]  }
0xd4: {  	v0 =	vadd.f32 v52, v0  }
0xd5: {  	v55 =	vld [tilespmem:s22+$0x5600]  }
0xd6: {  	v0 =	vadd.f32 v53, v0  }
0xd7: {  	v56 =	vld [tilespmem:s22+$0x5800]  }
0xd8: {  	v0 =	vadd.f32 v54, v0  }
0xd9: {  	v57 =	vld [tilespmem:s22+$0x5A00]  }
0xda: {  	v0 =	vadd.f32 v55, v0  }
0xdb: {  	v58 =	vld [tilespmem:s22+$0x5C00]  }
0xdc: {  	v0 =	vadd.f32 v56, v0  }
0xdd: {  	v59 =	vld [tilespmem:s22+$0x5E00]  }
0xde: {  	v0 =	vadd.f32 v57, v0  }
0xdf: {  	v60 =	vld [tilespmem:s22+$0x6000]  }
0xe0: {  	v0 =	vadd.f32 v58, v0  }
0xe1: {  	v61 =	vld [tilespmem:s22+$0x6200]  }
0xe2: {  	v0 =	vadd.f32 v59, v0  }
0xe3: {  	v62 =	vld [tilespmem:s22+$0x6400]  }
0xe4: {  	v0 =	vadd.f32 v60, v0  }
0xe5: {  	v63 =	vld [tilespmem:s22+$0x6600]  }
0xe6: {  	v0 =	vadd.f32 v61, v0;
	_ =	sdelay $0x1  }
0xe7: {  	v0 =	vadd.f32 v62, v0;
	_ =	sdelay $0x1  }
0xe8: {  	s21 =	sadd.s32 $0x1, s21;
	v0 =	vadd.f32 v63, v0  }
0xe9: {  	p0 =	sne.s32 s21, s10  }
.Ltmp5:
0xea: {  	[tilespmem:s22+$0x6800] =	vst v0;
	(pc) =	sbr.rel @p0 .LBB2_1-.Ltmp5, $4  }
0xeb: {  	[hbm4b:s9+s3] =	stream.linear.scatter [tilespmem:s16], [sflag:$0x4], $0x200, $0x38;
	[tilespmem:$0x15E38] =	vst v63  }
0xec: {  	_ =	swait.ge [sflag:s15], $0x200  }
0xed: {  	[sflag:s15] =	ssyncset.done $0x0  }
0xee: {  	[sflag:s15] =	ssyncadd.s32 $0xFFFFFE00  }
0xef: {  	_ =	sfence.sel $0x180000  }
0xf0: {  	[bflag:$0x0] =	sbarrier.arrive $0xFFFF  }
0xf1: {  	p0 =	sne.s32 s1, $0x0;
	_ =	strace $0x9000004A  }
0xf2: {  	s0 =	sadd.s32 @!p0 $0x100000, s0;
	[bflag:$0x2] =	sbarrier.arrive $0xFFFF  }
0xf3: {  	[sflag:s0] =	ssyncadd.tile.s32 @!p0 $0x1;
	_ =	shalt  }
.Lfunc_end2:
_tile_overlayer_lowered:
.L_overlay_start_2:
0xf4: {  	(tag) =	ssettag $0x2  }
0xf5: {  	s0 =	rddreg [dreg:$0x0];
	s2 =	stileid.u32  }
0xf6: {  	s1 =	rddreg [dreg:$0x1];
	p0 =	sne.s32 s2, $0x0  }
0xf7: {  	s3 =	rddreg [dreg:$0x2];
	[bflag:$0x3] =	sbarrier.arrive $0xFFFF;
	s2 =	simm.s32 @!p0 $0x1C04  }
0xf8: {  	[timem:s3], [sflag:s2] =	dma.local @!p0 [hbm:s0], s1  }
0xf9: {  	s0 =	simm.s32 @!p0 $0x4  }
0xfa: {  	_ =	swait.ge @!p0 [sflag:s0], s1  }
0xfb: {  	s1 =	ssub.s32 @!p0 $0x0, s1;
	[sflag:s0] =	ssyncset.done @!p0 $0x0  }
0xfc: {  	[sflag:s0] =	ssyncadd.s32 @!p0 s1  }
0xfd: {  	[bflag:$0x3] =	sbarrier.arrive $0xFFFF  }
0xfe: {  	_ =	shalt  }

</sc_bundles>
